<compile_context>
chip_gen: v7x
topology: tpu7x:2x2x1
jax: 0.10.2.dev20260603
libtpu: 0.0.44.dev20260713+nightly
codegen_flags: <defaults>
</compile_context>

<pallas_src>
import functools

import jax
import jax.numpy as jnp
from jax import lax
from jax.experimental import pallas as pl
from jax.experimental.pallas import tpu as pltpu
from jax.experimental.pallas import tpu_sc as plsc

B = 16384
D = 128
L = 16
NC = 2
NS = 16
NW = NC * NS
BW = B // NW
C = 32
NCH = BW // C
NSLOT = 8
LOOK = NSLOT - 1
NG = C // L
DC = D // L


def _sc_body(uid_hbm, iid_hbm, ut_hbm, it_hbm, w_hbm, b_hbm, out_hbm,
             uidx_v, iidx_v, ubuf, vbuf, pbuf, obuf, wbuf, bbuf, sem, sem_w):
    wid = lax.axis_index("s") * NC + lax.axis_index("c")
    base = wid * BW

    cw = pltpu.async_copy(w_hbm, wbuf, sem_w.at[0])
    cb = pltpu.async_copy(b_hbm, bbuf, sem_w.at[1])
    c0u = pltpu.async_copy(uid_hbm.at[pl.ds(base, C)],
                           uidx_v.at[pl.ds(0, C)], sem_w.at[2])
    c0i = pltpu.async_copy(iid_hbm.at[pl.ds(base, C)],
                           iidx_v.at[pl.ds(0, C)], sem_w.at[3])
    c0u.wait()
    c0i.wait()
    cu = pltpu.async_copy(uid_hbm.at[pl.ds(base + C, BW - C)],
                          uidx_v.at[pl.ds(C, BW - C)], sem_w.at[2])
    ci = pltpu.async_copy(iid_hbm.at[pl.ds(base + C, BW - C)],
                          iidx_v.at[pl.ds(C, BW - C)], sem_w.at[3])

    def issue(k, s):
        pltpu.async_copy(ut_hbm.at[uidx_v.at[pl.ds(k * C, C)]],
                         ubuf.at[s], sem.at[0, s])
        pltpu.async_copy(it_hbm.at[iidx_v.at[pl.ds(k * C, C)]],
                         vbuf.at[s], sem.at[1, s])

    def wait(k, s):
        pltpu.make_async_copy(ut_hbm.at[uidx_v.at[pl.ds(k * C, C)]],
                              ubuf.at[s], sem.at[0, s]).wait()
        pltpu.make_async_copy(it_hbm.at[iidx_v.at[pl.ds(k * C, C)]],
                              vbuf.at[s], sem.at[1, s]).wait()

    issue(0, 0)
    cu.wait()
    ci.wait()
    for k0 in range(1, LOOK):
        issue(k0, k0)
    cw.wait()
    cb.wait()

    lane = jnp.arange(L, dtype=jnp.int32)
    izero = jnp.zeros((L,), jnp.int32)
    wsl = [wbuf[0, pl.ds(c * L, L)] for c in range(DC)]
    bias = bbuf[...]
    zero = jnp.zeros((L,), jnp.float32)

    def chunk_body(k, carry):
        s = lax.rem(k, NSLOT)

        @pl.when(k + LOOK < NCH)
        def _():
            issue(k + LOOK, lax.rem(k + LOOK, NSLOT))

        wait(k, s)

        @plsc.parallel_loop(0, C, unroll=4)
        def row_body(r):
            t = [ubuf[s, r, pl.ds(c * L, L)] * vbuf[s, r, pl.ds(c * L, L)]
                 * wsl[c] for c in range(DC)]
            acc = (((t[0] + t[1]) + (t[2] + t[3]))
                   + ((t[4] + t[5]) + (t[6] + t[7])))
            plsc.store_scatter(pbuf, [lane, izero + r], acc)

        @plsc.parallel_loop(0, NG, unroll=2)
        def grp_body(g):
            a = [pbuf[j, pl.ds(g * L, L)] for j in range(L)]
            for step in (8, 4, 2, 1):
                a = [a[j] + a[j + step] for j in range(step)]
            x = a[0] + bias
            obuf[pl.ds(k * C + g * L, L)] = 1.0 / (1.0 + jnp.exp(-x))

        return carry

    lax.fori_loop(0, NCH, chunk_body, 0)

    pltpu.sync_copy(obuf, out_hbm.at[pl.ds(base, BW)])


@functools.partial(
    pl.kernel,
    out_type=jax.ShapeDtypeStruct((B,), jnp.float32),
    mesh=plsc.VectorSubcoreMesh(core_axis_name="c", subcore_axis_name="s"),
    compiler_params=pltpu.CompilerParams(needs_layout_passes=False),
    scratch_types=[
        pltpu.VMEM((BW,), jnp.int32),
        pltpu.VMEM((BW,), jnp.int32),
        pltpu.VMEM((NSLOT, C, D), jnp.float32),
        pltpu.VMEM((NSLOT, C, D), jnp.float32),
        pltpu.VMEM((L, C), jnp.float32),
        pltpu.VMEM((BW,), jnp.float32),
        pltpu.VMEM((1, D), jnp.float32),
        pltpu.VMEM((L,), jnp.float32),
        pltpu.SemaphoreType.DMA((2, NSLOT)),
        pltpu.SemaphoreType.DMA((4,)),
    ],
)
def _gmf_sc(uid, iid, ut, it, w, b, out, *scratch):
    _sc_body(uid, iid, ut, it, w, b, out, *scratch)


def kernel(user_ids, item_ids, user_table, item_table, W, b):
    return _gmf_sc(user_ids.astype(jnp.int32), item_ids.astype(jnp.int32),
                   user_table, item_table, W,
                   jnp.broadcast_to(b.astype(jnp.float32), (L,)))

# --- scband reference (transcript-rebuilt; emitter-appended) ---
"""Pipeline reference for scband-gmf-22239340659174 (READ-ONLY COPY).

The authoritative reference and input builder live on the scoring server;
editing this copy changes nothing except your own understanding.
"""

import jax, jax.numpy as jnp
import numpy as np

NUM_USERS = 100000
NUM_ITEMS = 100000
EMBED_DIM = 128
BATCH = 16384

def setup_inputs(seed: int = 0) -> dict:
    key = jax.random.key(seed)
    k1, k2, k3, k4, k5, k6 = jax.random.split(key, 6)
    user_ids = jax.random.randint(k1, (BATCH,), 0, NUM_USERS, dtype=jnp.int64) if jax.config.jax_enable_x64 else jax.random.randint(k1, (BATCH,), 0, NUM_USERS).astype(jnp.int32)
    item_ids = jax.random.randint(k2, (BATCH,), 0, NUM_ITEMS).astype(user_ids.dtype)
    user_table = jax.random.normal(k3, (NUM_USERS, EMBED_DIM), dtype=jnp.float32) * 0.01
    item_table = jax.random.normal(k4, (NUM_ITEMS, EMBED_DIM), dtype=jnp.float32) * 0.01
    # xavier uniform for Linear(EMBED_DIM, 1): limit = sqrt(6/(fan_in+fan_out))
    limit = float(np.sqrt(6.0 / (EMBED_DIM + 1)))
    W = jax.random.uniform(k5, (1, EMBED_DIM), dtype=jnp.float32, minval=-limit, maxval=limit)
    b = jnp.zeros((1,), dtype=jnp.float32)
    return {"user_ids": user_ids, "item_ids": item_ids, "user_table": user_table, "item_table": item_table, "W": W, "b": b}

def reference(user_ids, item_ids, user_table, item_table, W, b):
    user_emb = jnp.take(user_table, user_ids, axis=0)
    item_emb = jnp.take(item_table, item_ids, axis=0)
    element_product = user_emb * item_emb
    logits = element_product @ W.T + b  # [B, 1]
    output = jax.nn.sigmoid(jnp.squeeze(logits, axis=-1))
    return output

if __name__ == "__main__":
    import jax
    _d = setup_inputs()
    print(jax.jit(kernel)(*tuple(_d.values())))

</pallas_src>

<mosaic_0001>
#map = affine_map<(d0, d1) -> (0)>
#map1 = affine_map<(d0, d1) -> (0, 0)>
module attributes {stable_mosaic.version = 14 : i64} {
  func.func @_gmf_sc(%arg0: i32, %arg1: i32, %arg2: memref<16384xi32, #tpu.memory_space<hbm>>, %arg3: memref<16384xi32, #tpu.memory_space<hbm>>, %arg4: memref<100000x128xf32, #tpu.memory_space<hbm>>, %arg5: memref<100000x128xf32, #tpu.memory_space<hbm>>, %arg6: memref<1x128xf32, #tpu.memory_space<hbm>>, %arg7: memref<16xf32, #tpu.memory_space<hbm>>, %arg8: memref<16384xf32, #tpu.memory_space<hbm>>, %arg9: memref<512xi32, #tpu.memory_space<vmem>>, %arg10: memref<512xi32, #tpu.memory_space<vmem>>, %arg11: memref<8x32x128xf32, #tpu.memory_space<vmem>>, %arg12: memref<8x32x128xf32, #tpu.memory_space<vmem>>, %arg13: memref<16x32xf32, #tpu.memory_space<vmem>>, %arg14: memref<512xf32, #tpu.memory_space<vmem>>, %arg15: memref<1x128xf32, #tpu.memory_space<vmem>>, %arg16: memref<16xf32, #tpu.memory_space<vmem>>, %arg17: memref<2x8x!tpu.dma_semaphore, #tpu.memory_space<semaphore_mem>>, %arg18: memref<4x!tpu.dma_semaphore, #tpu.memory_space<semaphore_mem>>) attributes {dimension_semantics = [#tpu.dimension_semantics<core_parallel>, #tpu.dimension_semantics<subcore_parallel>], iteration_bounds = array<i64: 2, 16>, scalar_prefetch = 0 : i64, scratch_operands = 10 : i64, tpu.core_type = #tpu.core_type<sc_vector_subcore>, window_params = [{transform_indices = #map}, {transform_indices = #map}, {transform_indices = #map1}, {transform_indices = #map1}, {transform_indices = #map1}, {transform_indices = #map}, {transform_indices = #map}]} {
    %mul3A = arith.constant 2 : i32
    %mul3A_0 = arith.muli %arg1, %mul3A : i32
    %add3A = arith.addi %mul3A_0, %arg0 : i32
    %mul3A_1 = arith.constant 512 : i32
    %mul3A_2 = arith.muli %add3A, %mul3A_1 : i32
    %dma_start3A = arith.constant 0 : i32
    %dma_start3A_3 = tpu.memref_slice %arg18[%dma_start3A] : memref<4x!tpu.dma_semaphore, #tpu.memory_space<semaphore_mem>> -> memref<1x!tpu.dma_semaphore, #tpu.memory_space<semaphore_mem>>
    %dma_start3A_4 = tpu.memref_squeeze %dma_start3A_3 : memref<1x!tpu.dma_semaphore, #tpu.memory_space<semaphore_mem>> -> memref<!tpu.dma_semaphore, #tpu.memory_space<semaphore_mem>>
    tpu.enqueue_dma source(%arg6 : memref<1x128xf32, #tpu.memory_space<hbm>>) target(%arg15 : memref<1x128xf32, #tpu.memory_space<vmem>>) target_semaphore(%dma_start3A_4 : memref<!tpu.dma_semaphore, #tpu.memory_space<semaphore_mem>>)
    %dma_start3A_5 = arith.constant 1 : i32
    %dma_start3A_6 = tpu.memref_slice %arg18[%dma_start3A_5] : memref<4x!tpu.dma_semaphore, #tpu.memory_space<semaphore_mem>> -> memref<1x!tpu.dma_semaphore, #tpu.memory_space<semaphore_mem>>
    %dma_start3A_7 = tpu.memref_squeeze %dma_start3A_6 : memref<1x!tpu.dma_semaphore, #tpu.memory_space<semaphore_mem>> -> memref<!tpu.dma_semaphore, #tpu.memory_space<semaphore_mem>>
    tpu.enqueue_dma source(%arg7 : memref<16xf32, #tpu.memory_space<hbm>>) target(%arg16 : memref<16xf32, #tpu.memory_space<vmem>>) target_semaphore(%dma_start3A_7 : memref<!tpu.dma_semaphore, #tpu.memory_space<semaphore_mem>>)
    %dma_start3A_8 = arith.constant 2 : i32
    %dma_start3A_9 = arith.constant 0 : i32
    %dma_start3A_10 = tpu.memref_slice %arg9[%dma_start3A_9] : memref<512xi32, #tpu.memory_space<vmem>> -> memref<32xi32, #tpu.memory_space<vmem>>
    %dma_start3A_11 = tpu.memref_slice %arg2[%mul3A_2] : memref<16384xi32, #tpu.memory_space<hbm>> -> memref<32xi32, #tpu.memory_space<hbm>>
    %dma_start3A_12 = tpu.memref_slice %arg18[%dma_start3A_8] : memref<4x!tpu.dma_semaphore, #tpu.memory_space<semaphore_mem>> -> memref<1x!tpu.dma_semaphore, #tpu.memory_space<semaphore_mem>>
    %dma_start3A_13 = tpu.memref_squeeze %dma_start3A_12 : memref<1x!tpu.dma_semaphore, #tpu.memory_space<semaphore_mem>> -> memref<!tpu.dma_semaphore, #tpu.memory_space<semaphore_mem>>
    %dma_start3A_14 = arith.constant 0 : i32
    %dma_start3A_15 = tpu.memref_slice %arg9[%dma_start3A_14] : memref<512xi32, #tpu.memory_space<vmem>> -> memref<32xi32, #tpu.memory_space<vmem>>
    %dma_start3A_16 = tpu.memref_slice %arg2[%mul3A_2] : memref<16384xi32, #tpu.memory_space<hbm>> -> memref<32xi32, #tpu.memory_space<hbm>>
    tpu.enqueue_dma source(%dma_start3A_16 : memref<32xi32, #tpu.memory_space<hbm>>) target(%dma_start3A_15 : memref<32xi32, #tpu.memory_space<vmem>>) target_semaphore(%dma_start3A_13 : memref<!tpu.dma_semaphore, #tpu.memory_space<semaphore_mem>>)
    %dma_start3A_17 = arith.constant 3 : i32
    %dma_start3A_18 = arith.constant 0 : i32
    %dma_start3A_19 = tpu.memref_slice %arg10[%dma_start3A_18] : memref<512xi32, #tpu.memory_space<vmem>> -> memref<32xi32, #tpu.memory_space<vmem>>
    %dma_start3A_20 = tpu.memref_slice %arg3[%mul3A_2] : memref<16384xi32, #tpu.memory_space<hbm>> -> memref<32xi32, #tpu.memory_space<hbm>>
    %dma_start3A_21 = tpu.memref_slice %arg18[%dma_start3A_17] : memref<4x!tpu.dma_semaphore, #tpu.memory_space<semaphore_mem>> -> memref<1x!tpu.dma_semaphore, #tpu.memory_space<semaphore_mem>>
    %dma_start3A_22 = tpu.memref_squeeze %dma_start3A_21 : memref<1x!tpu.dma_semaphore, #tpu.memory_space<semaphore_mem>> -> memref<!tpu.dma_semaphore, #tpu.memory_space<semaphore_mem>>
    %dma_start3A_23 = arith.constant 0 : i32
    %dma_start3A_24 = tpu.memref_slice %arg10[%dma_start3A_23] : memref<512xi32, #tpu.memory_space<vmem>> -> memref<32xi32, #tpu.memory_space<vmem>>
    %dma_start3A_25 = tpu.memref_slice %arg3[%mul3A_2] : memref<16384xi32, #tpu.memory_space<hbm>> -> memref<32xi32, #tpu.memory_space<hbm>>
    tpu.enqueue_dma source(%dma_start3A_25 : memref<32xi32, #tpu.memory_space<hbm>>) target(%dma_start3A_24 : memref<32xi32, #tpu.memory_space<vmem>>) target_semaphore(%dma_start3A_22 : memref<!tpu.dma_semaphore, #tpu.memory_space<semaphore_mem>>)
    %dma_wait3A = arith.constant 2 : i32
    %dma_wait3A_26 = arith.constant 0 : i32
    %dma_wait3A_27 = tpu.memref_slice %arg9[%dma_wait3A_26] : memref<512xi32, #tpu.memory_space<vmem>> -> memref<32xi32, #tpu.memory_space<vmem>>
    %dma_wait3A_28 = tpu.memref_slice %arg2[%mul3A_2] : memref<16384xi32, #tpu.memory_space<hbm>> -> memref<32xi32, #tpu.memory_space<hbm>>
    %dma_wait3A_29 = tpu.memref_slice %arg18[%dma_wait3A] : memref<4x!tpu.dma_semaphore, #tpu.memory_space<semaphore_mem>> -> memref<1x!tpu.dma_semaphore, #tpu.memory_space<semaphore_mem>>
    %dma_wait3A_30 = tpu.memref_squeeze %dma_wait3A_29 : memref<1x!tpu.dma_semaphore, #tpu.memory_space<semaphore_mem>> -> memref<!tpu.dma_semaphore, #tpu.memory_space<semaphore_mem>>
    %dma_wait3A_31 = arith.constant 0 : i32
    %dma_wait3A_32 = tpu.memref_slice %arg9[%dma_wait3A_31] : memref<512xi32, #tpu.memory_space<vmem>> -> memref<32xi32, #tpu.memory_space<vmem>>
    %dma_wait3A_33 = tpu.memref_slice %arg2[%mul3A_2] : memref<16384xi32, #tpu.memory_space<hbm>> -> memref<32xi32, #tpu.memory_space<hbm>>
    tpu.wait_dma2 semaphore(%dma_wait3A_30 : memref<!tpu.dma_semaphore, #tpu.memory_space<semaphore_mem>>) src(%dma_wait3A_33 : memref<32xi32, #tpu.memory_space<hbm>>) dst(%dma_wait3A_32 : memref<32xi32, #tpu.memory_space<vmem>>)
    %dma_wait3A_34 = arith.constant 3 : i32
    %dma_wait3A_35 = arith.constant 0 : i32
    %dma_wait3A_36 = tpu.memref_slice %arg10[%dma_wait3A_35] : memref<512xi32, #tpu.memory_space<vmem>> -> memref<32xi32, #tpu.memory_space<vmem>>
    %dma_wait3A_37 = tpu.memref_slice %arg3[%mul3A_2] : memref<16384xi32, #tpu.memory_space<hbm>> -> memref<32xi32, #tpu.memory_space<hbm>>
    %dma_wait3A_38 = tpu.memref_slice %arg18[%dma_wait3A_34] : memref<4x!tpu.dma_semaphore, #tpu.memory_space<semaphore_mem>> -> memref<1x!tpu.dma_semaphore, #tpu.memory_space<semaphore_mem>>
    %dma_wait3A_39 = tpu.memref_squeeze %dma_wait3A_38 : memref<1x!tpu.dma_semaphore, #tpu.memory_space<semaphore_mem>> -> memref<!tpu.dma_semaphore, #tpu.memory_space<semaphore_mem>>
    %dma_wait3A_40 = arith.constant 0 : i32
    %dma_wait3A_41 = tpu.memref_slice %arg10[%dma_wait3A_40] : memref<512xi32, #tpu.memory_space<vmem>> -> memref<32xi32, #tpu.memory_space<vmem>>
    %dma_wait3A_42 = tpu.memref_slice %arg3[%mul3A_2] : memref<16384xi32, #tpu.memory_space<hbm>> -> memref<32xi32, #tpu.memory_space<hbm>>
    tpu.wait_dma2 semaphore(%dma_wait3A_39 : memref<!tpu.dma_semaphore, #tpu.memory_space<semaphore_mem>>) src(%dma_wait3A_42 : memref<32xi32, #tpu.memory_space<hbm>>) dst(%dma_wait3A_41 : memref<32xi32, #tpu.memory_space<vmem>>)
    %add3A_43 = arith.constant 32 : i32
    %add3A_44 = arith.addi %mul3A_2, %add3A_43 : i32
    %dma_start3A_45 = arith.constant 2 : i32
    %dma_start3A_46 = arith.constant 32 : i32
    %dma_start3A_47 = tpu.memref_slice %arg9[%dma_start3A_46] : memref<512xi32, #tpu.memory_space<vmem>> -> memref<480xi32, #tpu.memory_space<vmem>>
    %dma_start3A_48 = tpu.memref_slice %arg2[%add3A_44] : memref<16384xi32, #tpu.memory_space<hbm>> -> memref<480xi32, #tpu.memory_space<hbm>>
    %dma_start3A_49 = tpu.memref_slice %arg18[%dma_start3A_45] : memref<4x!tpu.dma_semaphore, #tpu.memory_space<semaphore_mem>> -> memref<1x!tpu.dma_semaphore, #tpu.memory_space<semaphore_mem>>
    %dma_start3A_50 = tpu.memref_squeeze %dma_start3A_49 : memref<1x!tpu.dma_semaphore, #tpu.memory_space<semaphore_mem>> -> memref<!tpu.dma_semaphore, #tpu.memory_space<semaphore_mem>>
    %dma_start3A_51 = arith.constant 32 : i32
    %dma_start3A_52 = tpu.memref_slice %arg9[%dma_start3A_51] : memref<512xi32, #tpu.memory_space<vmem>> -> memref<480xi32, #tpu.memory_space<vmem>>
    %dma_start3A_53 = tpu.memref_slice %arg2[%add3A_44] : memref<16384xi32, #tpu.memory_space<hbm>> -> memref<480xi32, #tpu.memory_space<hbm>>
    tpu.enqueue_dma source(%dma_start3A_53 : memref<480xi32, #tpu.memory_space<hbm>>) target(%dma_start3A_52 : memref<480xi32, #tpu.memory_space<vmem>>) target_semaphore(%dma_start3A_50 : memref<!tpu.dma_semaphore, #tpu.memory_space<semaphore_mem>>)
    %add3A_54 = arith.constant 32 : i32
    %add3A_55 = arith.addi %mul3A_2, %add3A_54 : i32
    %dma_start3A_56 = arith.constant 3 : i32
    %dma_start3A_57 = arith.constant 32 : i32
    %dma_start3A_58 = tpu.memref_slice %arg10[%dma_start3A_57] : memref<512xi32, #tpu.memory_space<vmem>> -> memref<480xi32, #tpu.memory_space<vmem>>
    %dma_start3A_59 = tpu.memref_slice %arg3[%add3A_55] : memref<16384xi32, #tpu.memory_space<hbm>> -> memref<480xi32, #tpu.memory_space<hbm>>
    %dma_start3A_60 = tpu.memref_slice %arg18[%dma_start3A_56] : memref<4x!tpu.dma_semaphore, #tpu.memory_space<semaphore_mem>> -> memref<1x!tpu.dma_semaphore, #tpu.memory_space<semaphore_mem>>
    %dma_start3A_61 = tpu.memref_squeeze %dma_start3A_60 : memref<1x!tpu.dma_semaphore, #tpu.memory_space<semaphore_mem>> -> memref<!tpu.dma_semaphore, #tpu.memory_space<semaphore_mem>>
    %dma_start3A_62 = arith.constant 32 : i32
    %dma_start3A_63 = tpu.memref_slice %arg10[%dma_start3A_62] : memref<512xi32, #tpu.memory_space<vmem>> -> memref<480xi32, #tpu.memory_space<vmem>>
    %dma_start3A_64 = tpu.memref_slice %arg3[%add3A_55] : memref<16384xi32, #tpu.memory_space<hbm>> -> memref<480xi32, #tpu.memory_space<hbm>>
    tpu.enqueue_dma source(%dma_start3A_64 : memref<480xi32, #tpu.memory_space<hbm>>) target(%dma_start3A_63 : memref<480xi32, #tpu.memory_space<vmem>>) target_semaphore(%dma_start3A_61 : memref<!tpu.dma_semaphore, #tpu.memory_space<semaphore_mem>>)
    %dma_start3A_65 = arith.constant 0 : i32
    %dma_start3A_66 = arith.constant 0 : i32
    %dma_start3A_67 = arith.constant 0 : i32
    %dma_start3A_68 = arith.constant 0 : i32
    %dma_start3A_69 = arith.constant 0 : i32
    %dma_start3A_70 = tpu.memref_slice %arg11[%dma_start3A_65, %dma_start3A_68, %dma_start3A_69] : memref<8x32x128xf32, #tpu.memory_space<vmem>> -> memref<1x32x128xf32, #tpu.memory_space<vmem>>
    %dma_start3A_71 = tpu.memref_squeeze %dma_start3A_70 : memref<1x32x128xf32, #tpu.memory_space<vmem>> -> memref<32x128xf32, #tpu.memory_space<vmem>>
    %dma_start3A_72 = arith.constant 0 : i32
    %dma_start3A_73 = tpu.memref_slice %arg9[%dma_start3A_72] : memref<512xi32, #tpu.memory_space<vmem>> -> memref<32xi32, #tpu.memory_space<vmem>>
    %dma_start3A_74 = arith.constant 0 : i32
    %dma_start3A_75 = arith.constant 0 : i32
    %dma_start3A_76 = tpu.memref_slice %arg4[%dma_start3A_74, %dma_start3A_75] : memref<100000x128xf32, #tpu.memory_space<hbm>> -> memref<100000x128xf32, #tpu.memory_space<hbm>>
    %dma_start3A_77 = tpu.memref_slice %arg17[%dma_start3A_66, %dma_start3A_67] : memref<2x8x!tpu.dma_semaphore, #tpu.memory_space<semaphore_mem>> -> memref<1x1x!tpu.dma_semaphore, #tpu.memory_space<semaphore_mem>>
    %dma_start3A_78 = tpu.memref_squeeze %dma_start3A_77 : memref<1x1x!tpu.dma_semaphore, #tpu.memory_space<semaphore_mem>> -> memref<!tpu.dma_semaphore, #tpu.memory_space<semaphore_mem>>
    tpu.enqueue_indirect_dma source(%dma_start3A_76 : memref<100000x128xf32, #tpu.memory_space<hbm>>) target(%dma_start3A_71 : memref<32x128xf32, #tpu.memory_space<vmem>>) offsets(%dma_start3A_73 : memref<32xi32, #tpu.memory_space<vmem>>) semaphore(%dma_start3A_78 : memref<!tpu.dma_semaphore, #tpu.memory_space<semaphore_mem>>)
    %dma_start3A_79 = arith.constant 0 : i32
    %dma_start3A_80 = arith.constant 1 : i32
    %dma_start3A_81 = arith.constant 0 : i32
    %dma_start3A_82 = arith.constant 0 : i32
    %dma_start3A_83 = arith.constant 0 : i32
    %dma_start3A_84 = tpu.memref_slice %arg12[%dma_start3A_79, %dma_start3A_82, %dma_start3A_83] : memref<8x32x128xf32, #tpu.memory_space<vmem>> -> memref<1x32x128xf32, #tpu.memory_space<vmem>>
    %dma_start3A_85 = tpu.memref_squeeze %dma_start3A_84 : memref<1x32x128xf32, #tpu.memory_space<vmem>> -> memref<32x128xf32, #tpu.memory_space<vmem>>
    %dma_start3A_86 = arith.constant 0 : i32
    %dma_start3A_87 = tpu.memref_slice %arg10[%dma_start3A_86] : memref<512xi32, #tpu.memory_space<vmem>> -> memref<32xi32, #tpu.memory_space<vmem>>
    %dma_start3A_88 = arith.constant 0 : i32
    %dma_start3A_89 = arith.constant 0 : i32
    %dma_start3A_90 = tpu.memref_slice %arg5[%dma_start3A_88, %dma_start3A_89] : memref<100000x128xf32, #tpu.memory_space<hbm>> -> memref<100000x128xf32, #tpu.memory_space<hbm>>
    %dma_start3A_91 = tpu.memref_slice %arg17[%dma_start3A_80, %dma_start3A_81] : memref<2x8x!tpu.dma_semaphore, #tpu.memory_space<semaphore_mem>> -> memref<1x1x!tpu.dma_semaphore, #tpu.memory_space<semaphore_mem>>
    %dma_start3A_92 = tpu.memref_squeeze %dma_start3A_91 : memref<1x1x!tpu.dma_semaphore, #tpu.memory_space<semaphore_mem>> -> memref<!tpu.dma_semaphore, #tpu.memory_space<semaphore_mem>>
    tpu.enqueue_indirect_dma source(%dma_start3A_90 : memref<100000x128xf32, #tpu.memory_space<hbm>>) target(%dma_start3A_85 : memref<32x128xf32, #tpu.memory_space<vmem>>) offsets(%dma_start3A_87 : memref<32xi32, #tpu.memory_space<vmem>>) semaphore(%dma_start3A_92 : memref<!tpu.dma_semaphore, #tpu.memory_space<semaphore_mem>>)
    %dma_wait3A_93 = arith.constant 2 : i32
    %dma_wait3A_94 = arith.constant 32 : i32
    %dma_wait3A_95 = tpu.memref_slice %arg9[%dma_wait3A_94] : memref<512xi32, #tpu.memory_space<vmem>> -> memref<480xi32, #tpu.memory_space<vmem>>
    %dma_wait3A_96 = tpu.memref_slice %arg2[%add3A_44] : memref<16384xi32, #tpu.memory_space<hbm>> -> memref<480xi32, #tpu.memory_space<hbm>>
    %dma_wait3A_97 = tpu.memref_slice %arg18[%dma_wait3A_93] : memref<4x!tpu.dma_semaphore, #tpu.memory_space<semaphore_mem>> -> memref<1x!tpu.dma_semaphore, #tpu.memory_space<semaphore_mem>>
    %dma_wait3A_98 = tpu.memref_squeeze %dma_wait3A_97 : memref<1x!tpu.dma_semaphore, #tpu.memory_space<semaphore_mem>> -> memref<!tpu.dma_semaphore, #tpu.memory_space<semaphore_mem>>
    %dma_wait3A_99 = arith.constant 32 : i32
    %dma_wait3A_100 = tpu.memref_slice %arg9[%dma_wait3A_99] : memref<512xi32, #tpu.memory_space<vmem>> -> memref<480xi32, #tpu.memory_space<vmem>>
    %dma_wait3A_101 = tpu.memref_slice %arg2[%add3A_44] : memref<16384xi32, #tpu.memory_space<hbm>> -> memref<480xi32, #tpu.memory_space<hbm>>
    tpu.wait_dma2 semaphore(%dma_wait3A_98 : memref<!tpu.dma_semaphore, #tpu.memory_space<semaphore_mem>>) src(%dma_wait3A_101 : memref<480xi32, #tpu.memory_space<hbm>>) dst(%dma_wait3A_100 : memref<480xi32, #tpu.memory_space<vmem>>)
    %dma_wait3A_102 = arith.constant 3 : i32
    %dma_wait3A_103 = arith.constant 32 : i32
    %dma_wait3A_104 = tpu.memref_slice %arg10[%dma_wait3A_103] : memref<512xi32, #tpu.memory_space<vmem>> -> memref<480xi32, #tpu.memory_space<vmem>>
    %dma_wait3A_105 = tpu.memref_slice %arg3[%add3A_55] : memref<16384xi32, #tpu.memory_space<hbm>> -> memref<480xi32, #tpu.memory_space<hbm>>
    %dma_wait3A_106 = tpu.memref_slice %arg18[%dma_wait3A_102] : memref<4x!tpu.dma_semaphore, #tpu.memory_space<semaphore_mem>> -> memref<1x!tpu.dma_semaphore, #tpu.memory_space<semaphore_mem>>
    %dma_wait3A_107 = tpu.memref_squeeze %dma_wait3A_106 : memref<1x!tpu.dma_semaphore, #tpu.memory_space<semaphore_mem>> -> memref<!tpu.dma_semaphore, #tpu.memory_space<semaphore_mem>>
    %dma_wait3A_108 = arith.constant 32 : i32
    %dma_wait3A_109 = tpu.memref_slice %arg10[%dma_wait3A_108] : memref<512xi32, #tpu.memory_space<vmem>> -> memref<480xi32, #tpu.memory_space<vmem>>
    %dma_wait3A_110 = tpu.memref_slice %arg3[%add3A_55] : memref<16384xi32, #tpu.memory_space<hbm>> -> memref<480xi32, #tpu.memory_space<hbm>>
    tpu.wait_dma2 semaphore(%dma_wait3A_107 : memref<!tpu.dma_semaphore, #tpu.memory_space<semaphore_mem>>) src(%dma_wait3A_110 : memref<480xi32, #tpu.memory_space<hbm>>) dst(%dma_wait3A_109 : memref<480xi32, #tpu.memory_space<vmem>>)
    %dma_start3A_111 = arith.constant 1 : i32
    %dma_start3A_112 = arith.constant 0 : i32
    %dma_start3A_113 = arith.constant 1 : i32
    %dma_start3A_114 = arith.constant 0 : i32
    %dma_start3A_115 = arith.constant 0 : i32
    %dma_start3A_116 = tpu.memref_slice %arg11[%dma_start3A_111, %dma_start3A_114, %dma_start3A_115] : memref<8x32x128xf32, #tpu.memory_space<vmem>> -> memref<1x32x128xf32, #tpu.memory_space<vmem>>
    %dma_start3A_117 = tpu.memref_squeeze %dma_start3A_116 : memref<1x32x128xf32, #tpu.memory_space<vmem>> -> memref<32x128xf32, #tpu.memory_space<vmem>>
    %dma_start3A_118 = arith.constant 32 : i32
    %dma_start3A_119 = tpu.memref_slice %arg9[%dma_start3A_118] : memref<512xi32, #tpu.memory_space<vmem>> -> memref<32xi32, #tpu.memory_space<vmem>>
    %dma_start3A_120 = arith.constant 0 : i32
    %dma_start3A_121 = arith.constant 0 : i32
    %dma_start3A_122 = tpu.memref_slice %arg4[%dma_start3A_120, %dma_start3A_121] : memref<100000x128xf32, #tpu.memory_space<hbm>> -> memref<100000x128xf32, #tpu.memory_space<hbm>>
    %dma_start3A_123 = tpu.memref_slice %arg17[%dma_start3A_112, %dma_start3A_113] : memref<2x8x!tpu.dma_semaphore, #tpu.memory_space<semaphore_mem>> -> memref<1x1x!tpu.dma_semaphore, #tpu.memory_space<semaphore_mem>>
    %dma_start3A_124 = tpu.memref_squeeze %dma_start3A_123 : memref<1x1x!tpu.dma_semaphore, #tpu.memory_space<semaphore_mem>> -> memref<!tpu.dma_semaphore, #tpu.memory_space<semaphore_mem>>
    tpu.enqueue_indirect_dma source(%dma_start3A_122 : memref<100000x128xf32, #tpu.memory_space<hbm>>) target(%dma_start3A_117 : memref<32x128xf32, #tpu.memory_space<vmem>>) offsets(%dma_start3A_119 : memref<32xi32, #tpu.memory_space<vmem>>) semaphore(%dma_start3A_124 : memref<!tpu.dma_semaphore, #tpu.memory_space<semaphore_mem>>)
    %dma_start3A_125 = arith.constant 1 : i32
    %dma_start3A_126 = arith.constant 1 : i32
    %dma_start3A_127 = arith.constant 1 : i32
    %dma_start3A_128 = arith.constant 0 : i32
    %dma_start3A_129 = arith.constant 0 : i32
    %dma_start3A_130 = tpu.memref_slice %arg12[%dma_start3A_125, %dma_start3A_128, %dma_start3A_129] : memref<8x32x128xf32, #tpu.memory_space<vmem>> -> memref<1x32x128xf32, #tpu.memory_space<vmem>>
    %dma_start3A_131 = tpu.memref_squeeze %dma_start3A_130 : memref<1x32x128xf32, #tpu.memory_space<vmem>> -> memref<32x128xf32, #tpu.memory_space<vmem>>
    %dma_start3A_132 = arith.constant 32 : i32
    %dma_start3A_133 = tpu.memref_slice %arg10[%dma_start3A_132] : memref<512xi32, #tpu.memory_space<vmem>> -> memref<32xi32, #tpu.memory_space<vmem>>
    %dma_start3A_134 = arith.constant 0 : i32
    %dma_start3A_135 = arith.constant 0 : i32
    %dma_start3A_136 = tpu.memref_slice %arg5[%dma_start3A_134, %dma_start3A_135] : memref<100000x128xf32, #tpu.memory_space<hbm>> -> memref<100000x128xf32, #tpu.memory_space<hbm>>
    %dma_start3A_137 = tpu.memref_slice %arg17[%dma_start3A_126, %dma_start3A_127] : memref<2x8x!tpu.dma_semaphore, #tpu.memory_space<semaphore_mem>> -> memref<1x1x!tpu.dma_semaphore, #tpu.memory_space<semaphore_mem>>
    %dma_start3A_138 = tpu.memref_squeeze %dma_start3A_137 : memref<1x1x!tpu.dma_semaphore, #tpu.memory_space<semaphore_mem>> -> memref<!tpu.dma_semaphore, #tpu.memory_space<semaphore_mem>>
    tpu.enqueue_indirect_dma source(%dma_start3A_136 : memref<100000x128xf32, #tpu.memory_space<hbm>>) target(%dma_start3A_131 : memref<32x128xf32, #tpu.memory_space<vmem>>) offsets(%dma_start3A_133 : memref<32xi32, #tpu.memory_space<vmem>>) semaphore(%dma_start3A_138 : memref<!tpu.dma_semaphore, #tpu.memory_space<semaphore_mem>>)
    %dma_start3A_139 = arith.constant 2 : i32
    %dma_start3A_140 = arith.constant 0 : i32
    %dma_start3A_141 = arith.constant 2 : i32
    %dma_start3A_142 = arith.constant 0 : i32
    %dma_start3A_143 = arith.constant 0 : i32
    %dma_start3A_144 = tpu.memref_slice %arg11[%dma_start3A_139, %dma_start3A_142, %dma_start3A_143] : memref<8x32x128xf32, #tpu.memory_space<vmem>> -> memref<1x32x128xf32, #tpu.memory_space<vmem>>
    %dma_start3A_145 = tpu.memref_squeeze %dma_start3A_144 : memref<1x32x128xf32, #tpu.memory_space<vmem>> -> memref<32x128xf32, #tpu.memory_space<vmem>>
    %dma_start3A_146 = arith.constant 64 : i32
    %dma_start3A_147 = tpu.memref_slice %arg9[%dma_start3A_146] : memref<512xi32, #tpu.memory_space<vmem>> -> memref<32xi32, #tpu.memory_space<vmem>>
    %dma_start3A_148 = arith.constant 0 : i32
    %dma_start3A_149 = arith.constant 0 : i32
    %dma_start3A_150 = tpu.memref_slice %arg4[%dma_start3A_148, %dma_start3A_149] : memref<100000x128xf32, #tpu.memory_space<hbm>> -> memref<100000x128xf32, #tpu.memory_space<hbm>>
    %dma_start3A_151 = tpu.memref_slice %arg17[%dma_start3A_140, %dma_start3A_141] : memref<2x8x!tpu.dma_semaphore, #tpu.memory_space<semaphore_mem>> -> memref<1x1x!tpu.dma_semaphore, #tpu.memory_space<semaphore_mem>>
    %dma_start3A_152 = tpu.memref_squeeze %dma_start3A_151 : memref<1x1x!tpu.dma_semaphore, #tpu.memory_space<semaphore_mem>> -> memref<!tpu.dma_semaphore, #tpu.memory_space<semaphore_mem>>
    tpu.enqueue_indirect_dma source(%dma_start3A_150 : memref<100000x128xf32, #tpu.memory_space<hbm>>) target(%dma_start3A_145 : memref<32x128xf32, #tpu.memory_space<vmem>>) offsets(%dma_start3A_147 : memref<32xi32, #tpu.memory_space<vmem>>) semaphore(%dma_start3A_152 : memref<!tpu.dma_semaphore, #tpu.memory_space<semaphore_mem>>)
    %dma_start3A_153 = arith.constant 2 : i32
    %dma_start3A_154 = arith.constant 1 : i32
    %dma_start3A_155 = arith.constant 2 : i32
    %dma_start3A_156 = arith.constant 0 : i32
    %dma_start3A_157 = arith.constant 0 : i32
    %dma_start3A_158 = tpu.memref_slice %arg12[%dma_start3A_153, %dma_start3A_156, %dma_start3A_157] : memref<8x32x128xf32, #tpu.memory_space<vmem>> -> memref<1x32x128xf32, #tpu.memory_space<vmem>>
    %dma_start3A_159 = tpu.memref_squeeze %dma_start3A_158 : memref<1x32x128xf32, #tpu.memory_space<vmem>> -> memref<32x128xf32, #tpu.memory_space<vmem>>
    %dma_start3A_160 = arith.constant 64 : i32
    %dma_start3A_161 = tpu.memref_slice %arg10[%dma_start3A_160] : memref<512xi32, #tpu.memory_space<vmem>> -> memref<32xi32, #tpu.memory_space<vmem>>
    %dma_start3A_162 = arith.constant 0 : i32
    %dma_start3A_163 = arith.constant 0 : i32
    %dma_start3A_164 = tpu.memref_slice %arg5[%dma_start3A_162, %dma_start3A_163] : memref<100000x128xf32, #tpu.memory_space<hbm>> -> memref<100000x128xf32, #tpu.memory_space<hbm>>
    %dma_start3A_165 = tpu.memref_slice %arg17[%dma_start3A_154, %dma_start3A_155] : memref<2x8x!tpu.dma_semaphore, #tpu.memory_space<semaphore_mem>> -> memref<1x1x!tpu.dma_semaphore, #tpu.memory_space<semaphore_mem>>
    %dma_start3A_166 = tpu.memref_squeeze %dma_start3A_165 : memref<1x1x!tpu.dma_semaphore, #tpu.memory_space<semaphore_mem>> -> memref<!tpu.dma_semaphore, #tpu.memory_space<semaphore_mem>>
    tpu.enqueue_indirect_dma source(%dma_start3A_164 : memref<100000x128xf32, #tpu.memory_space<hbm>>) target(%dma_start3A_159 : memref<32x128xf32, #tpu.memory_space<vmem>>) offsets(%dma_start3A_161 : memref<32xi32, #tpu.memory_space<vmem>>) semaphore(%dma_start3A_166 : memref<!tpu.dma_semaphore, #tpu.memory_space<semaphore_mem>>)
    %dma_start3A_167 = arith.constant 3 : i32
    %dma_start3A_168 = arith.constant 0 : i32
    %dma_start3A_169 = arith.constant 3 : i32
    %dma_start3A_170 = arith.constant 0 : i32
    %dma_start3A_171 = arith.constant 0 : i32
    %dma_start3A_172 = tpu.memref_slice %arg11[%dma_start3A_167, %dma_start3A_170, %dma_start3A_171] : memref<8x32x128xf32, #tpu.memory_space<vmem>> -> memref<1x32x128xf32, #tpu.memory_space<vmem>>
    %dma_start3A_173 = tpu.memref_squeeze %dma_start3A_172 : memref<1x32x128xf32, #tpu.memory_space<vmem>> -> memref<32x128xf32, #tpu.memory_space<vmem>>
    %dma_start3A_174 = arith.constant 96 : i32
    %dma_start3A_175 = tpu.memref_slice %arg9[%dma_start3A_174] : memref<512xi32, #tpu.memory_space<vmem>> -> memref<32xi32, #tpu.memory_space<vmem>>
    %dma_start3A_176 = arith.constant 0 : i32
    %dma_start3A_177 = arith.constant 0 : i32
    %dma_start3A_178 = tpu.memref_slice %arg4[%dma_start3A_176, %dma_start3A_177] : memref<100000x128xf32, #tpu.memory_space<hbm>> -> memref<100000x128xf32, #tpu.memory_space<hbm>>
    %dma_start3A_179 = tpu.memref_slice %arg17[%dma_start3A_168, %dma_start3A_169] : memref<2x8x!tpu.dma_semaphore, #tpu.memory_space<semaphore_mem>> -> memref<1x1x!tpu.dma_semaphore, #tpu.memory_space<semaphore_mem>>
    %dma_start3A_180 = tpu.memref_squeeze %dma_start3A_179 : memref<1x1x!tpu.dma_semaphore, #tpu.memory_space<semaphore_mem>> -> memref<!tpu.dma_semaphore, #tpu.memory_space<semaphore_mem>>
    tpu.enqueue_indirect_dma source(%dma_start3A_178 : memref<100000x128xf32, #tpu.memory_space<hbm>>) target(%dma_start3A_173 : memref<32x128xf32, #tpu.memory_space<vmem>>) offsets(%dma_start3A_175 : memref<32xi32, #tpu.memory_space<vmem>>) semaphore(%dma_start3A_180 : memref<!tpu.dma_semaphore, #tpu.memory_space<semaphore_mem>>)
    %dma_start3A_181 = arith.constant 3 : i32
    %dma_start3A_182 = arith.constant 1 : i32
    %dma_start3A_183 = arith.constant 3 : i32
    %dma_start3A_184 = arith.constant 0 : i32
    %dma_start3A_185 = arith.constant 0 : i32
    %dma_start3A_186 = tpu.memref_slice %arg12[%dma_start3A_181, %dma_start3A_184, %dma_start3A_185] : memref<8x32x128xf32, #tpu.memory_space<vmem>> -> memref<1x32x128xf32, #tpu.memory_space<vmem>>
    %dma_start3A_187 = tpu.memref_squeeze %dma_start3A_186 : memref<1x32x128xf32, #tpu.memory_space<vmem>> -> memref<32x128xf32, #tpu.memory_space<vmem>>
    %dma_start3A_188 = arith.constant 96 : i32
    %dma_start3A_189 = tpu.memref_slice %arg10[%dma_start3A_188] : memref<512xi32, #tpu.memory_space<vmem>> -> memref<32xi32, #tpu.memory_space<vmem>>
    %dma_start3A_190 = arith.constant 0 : i32
    %dma_start3A_191 = arith.constant 0 : i32
    %dma_start3A_192 = tpu.memref_slice %arg5[%dma_start3A_190, %dma_start3A_191] : memref<100000x128xf32, #tpu.memory_space<hbm>> -> memref<100000x128xf32, #tpu.memory_space<hbm>>
    %dma_start3A_193 = tpu.memref_slice %arg17[%dma_start3A_182, %dma_start3A_183] : memref<2x8x!tpu.dma_semaphore, #tpu.memory_space<semaphore_mem>> -> memref<1x1x!tpu.dma_semaphore, #tpu.memory_space<semaphore_mem>>
    %dma_start3A_194 = tpu.memref_squeeze %dma_start3A_193 : memref<1x1x!tpu.dma_semaphore, #tpu.memory_space<semaphore_mem>> -> memref<!tpu.dma_semaphore, #tpu.memory_space<semaphore_mem>>
    tpu.enqueue_indirect_dma source(%dma_start3A_192 : memref<100000x128xf32, #tpu.memory_space<hbm>>) target(%dma_start3A_187 : memref<32x128xf32, #tpu.memory_space<vmem>>) offsets(%dma_start3A_189 : memref<32xi32, #tpu.memory_space<vmem>>) semaphore(%dma_start3A_194 : memref<!tpu.dma_semaphore, #tpu.memory_space<semaphore_mem>>)
    %dma_start3A_195 = arith.constant 4 : i32
    %dma_start3A_196 = arith.constant 0 : i32
    %dma_start3A_197 = arith.constant 4 : i32
    %dma_start3A_198 = arith.constant 0 : i32
    %dma_start3A_199 = arith.constant 0 : i32
    %dma_start3A_200 = tpu.memref_slice %arg11[%dma_start3A_195, %dma_start3A_198, %dma_start3A_199] : memref<8x32x128xf32, #tpu.memory_space<vmem>> -> memref<1x32x128xf32, #tpu.memory_space<vmem>>
    %dma_start3A_201 = tpu.memref_squeeze %dma_start3A_200 : memref<1x32x128xf32, #tpu.memory_space<vmem>> -> memref<32x128xf32, #tpu.memory_space<vmem>>
    %dma_start3A_202 = arith.constant 128 : i32
    %dma_start3A_203 = tpu.memref_slice %arg9[%dma_start3A_202] : memref<512xi32, #tpu.memory_space<vmem>> -> memref<32xi32, #tpu.memory_space<vmem>>
    %dma_start3A_204 = arith.constant 0 : i32
    %dma_start3A_205 = arith.constant 0 : i32
    %dma_start3A_206 = tpu.memref_slice %arg4[%dma_start3A_204, %dma_start3A_205] : memref<100000x128xf32, #tpu.memory_space<hbm>> -> memref<100000x128xf32, #tpu.memory_space<hbm>>
    %dma_start3A_207 = tpu.memref_slice %arg17[%dma_start3A_196, %dma_start3A_197] : memref<2x8x!tpu.dma_semaphore, #tpu.memory_space<semaphore_mem>> -> memref<1x1x!tpu.dma_semaphore, #tpu.memory_space<semaphore_mem>>
    %dma_start3A_208 = tpu.memref_squeeze %dma_start3A_207 : memref<1x1x!tpu.dma_semaphore, #tpu.memory_space<semaphore_mem>> -> memref<!tpu.dma_semaphore, #tpu.memory_space<semaphore_mem>>
    tpu.enqueue_indirect_dma source(%dma_start3A_206 : memref<100000x128xf32, #tpu.memory_space<hbm>>) target(%dma_start3A_201 : memref<32x128xf32, #tpu.memory_space<vmem>>) offsets(%dma_start3A_203 : memref<32xi32, #tpu.memory_space<vmem>>) semaphore(%dma_start3A_208 : memref<!tpu.dma_semaphore, #tpu.memory_space<semaphore_mem>>)
    %dma_start3A_209 = arith.constant 4 : i32
    %dma_start3A_210 = arith.constant 1 : i32
    %dma_start3A_211 = arith.constant 4 : i32
    %dma_start3A_212 = arith.constant 0 : i32
    %dma_start3A_213 = arith.constant 0 : i32
    %dma_start3A_214 = tpu.memref_slice %arg12[%dma_start3A_209, %dma_start3A_212, %dma_start3A_213] : memref<8x32x128xf32, #tpu.memory_space<vmem>> -> memref<1x32x128xf32, #tpu.memory_space<vmem>>
    %dma_start3A_215 = tpu.memref_squeeze %dma_start3A_214 : memref<1x32x128xf32, #tpu.memory_space<vmem>> -> memref<32x128xf32, #tpu.memory_space<vmem>>
    %dma_start3A_216 = arith.constant 128 : i32
    %dma_start3A_217 = tpu.memref_slice %arg10[%dma_start3A_216] : memref<512xi32, #tpu.memory_space<vmem>> -> memref<32xi32, #tpu.memory_space<vmem>>
    %dma_start3A_218 = arith.constant 0 : i32
    %dma_start3A_219 = arith.constant 0 : i32
    %dma_start3A_220 = tpu.memref_slice %arg5[%dma_start3A_218, %dma_start3A_219] : memref<100000x128xf32, #tpu.memory_space<hbm>> -> memref<100000x128xf32, #tpu.memory_space<hbm>>
    %dma_start3A_221 = tpu.memref_slice %arg17[%dma_start3A_210, %dma_start3A_211] : memref<2x8x!tpu.dma_semaphore, #tpu.memory_space<semaphore_mem>> -> memref<1x1x!tpu.dma_semaphore, #tpu.memory_space<semaphore_mem>>
    %dma_start3A_222 = tpu.memref_squeeze %dma_start3A_221 : memref<1x1x!tpu.dma_semaphore, #tpu.memory_space<semaphore_mem>> -> memref<!tpu.dma_semaphore, #tpu.memory_space<semaphore_mem>>
    tpu.enqueue_indirect_dma source(%dma_start3A_220 : memref<100000x128xf32, #tpu.memory_space<hbm>>) target(%dma_start3A_215 : memref<32x128xf32, #tpu.memory_space<vmem>>) offsets(%dma_start3A_217 : memref<32xi32, #tpu.memory_space<vmem>>) semaphore(%dma_start3A_222 : memref<!tpu.dma_semaphore, #tpu.memory_space<semaphore_mem>>)
    %dma_start3A_223 = arith.constant 5 : i32
    %dma_start3A_224 = arith.constant 0 : i32
    %dma_start3A_225 = arith.constant 5 : i32
    %dma_start3A_226 = arith.constant 0 : i32
    %dma_start3A_227 = arith.constant 0 : i32
    %dma_start3A_228 = tpu.memref_slice %arg11[%dma_start3A_223, %dma_start3A_226, %dma_start3A_227] : memref<8x32x128xf32, #tpu.memory_space<vmem>> -> memref<1x32x128xf32, #tpu.memory_space<vmem>>
    %dma_start3A_229 = tpu.memref_squeeze %dma_start3A_228 : memref<1x32x128xf32, #tpu.memory_space<vmem>> -> memref<32x128xf32, #tpu.memory_space<vmem>>
    %dma_start3A_230 = arith.constant 160 : i32
    %dma_start3A_231 = tpu.memref_slice %arg9[%dma_start3A_230] : memref<512xi32, #tpu.memory_space<vmem>> -> memref<32xi32, #tpu.memory_space<vmem>>
    %dma_start3A_232 = arith.constant 0 : i32
    %dma_start3A_233 = arith.constant 0 : i32
    %dma_start3A_234 = tpu.memref_slice %arg4[%dma_start3A_232, %dma_start3A_233] : memref<100000x128xf32, #tpu.memory_space<hbm>> -> memref<100000x128xf32, #tpu.memory_space<hbm>>
    %dma_start3A_235 = tpu.memref_slice %arg17[%dma_start3A_224, %dma_start3A_225] : memref<2x8x!tpu.dma_semaphore, #tpu.memory_space<semaphore_mem>> -> memref<1x1x!tpu.dma_semaphore, #tpu.memory_space<semaphore_mem>>
    %dma_start3A_236 = tpu.memref_squeeze %dma_start3A_235 : memref<1x1x!tpu.dma_semaphore, #tpu.memory_space<semaphore_mem>> -> memref<!tpu.dma_semaphore, #tpu.memory_space<semaphore_mem>>
    tpu.enqueue_indirect_dma source(%dma_start3A_234 : memref<100000x128xf32, #tpu.memory_space<hbm>>) target(%dma_start3A_229 : memref<32x128xf32, #tpu.memory_space<vmem>>) offsets(%dma_start3A_231 : memref<32xi32, #tpu.memory_space<vmem>>) semaphore(%dma_start3A_236 : memref<!tpu.dma_semaphore, #tpu.memory_space<semaphore_mem>>)
    %dma_start3A_237 = arith.constant 5 : i32
    %dma_start3A_238 = arith.constant 1 : i32
    %dma_start3A_239 = arith.constant 5 : i32
    %dma_start3A_240 = arith.constant 0 : i32
    %dma_start3A_241 = arith.constant 0 : i32
    %dma_start3A_242 = tpu.memref_slice %arg12[%dma_start3A_237, %dma_start3A_240, %dma_start3A_241] : memref<8x32x128xf32, #tpu.memory_space<vmem>> -> memref<1x32x128xf32, #tpu.memory_space<vmem>>
    %dma_start3A_243 = tpu.memref_squeeze %dma_start3A_242 : memref<1x32x128xf32, #tpu.memory_space<vmem>> -> memref<32x128xf32, #tpu.memory_space<vmem>>
    %dma_start3A_244 = arith.constant 160 : i32
    %dma_start3A_245 = tpu.memref_slice %arg10[%dma_start3A_244] : memref<512xi32, #tpu.memory_space<vmem>> -> memref<32xi32, #tpu.memory_space<vmem>>
    %dma_start3A_246 = arith.constant 0 : i32
    %dma_start3A_247 = arith.constant 0 : i32
    %dma_start3A_248 = tpu.memref_slice %arg5[%dma_start3A_246, %dma_start3A_247] : memref<100000x128xf32, #tpu.memory_space<hbm>> -> memref<100000x128xf32, #tpu.memory_space<hbm>>
    %dma_start3A_249 = tpu.memref_slice %arg17[%dma_start3A_238, %dma_start3A_239] : memref<2x8x!tpu.dma_semaphore, #tpu.memory_space<semaphore_mem>> -> memref<1x1x!tpu.dma_semaphore, #tpu.memory_space<semaphore_mem>>
    %dma_start3A_250 = tpu.memref_squeeze %dma_start3A_249 : memref<1x1x!tpu.dma_semaphore, #tpu.memory_space<semaphore_mem>> -> memref<!tpu.dma_semaphore, #tpu.memory_space<semaphore_mem>>
    tpu.enqueue_indirect_dma source(%dma_start3A_248 : memref<100000x128xf32, #tpu.memory_space<hbm>>) target(%dma_start3A_243 : memref<32x128xf32, #tpu.memory_space<vmem>>) offsets(%dma_start3A_245 : memref<32xi32, #tpu.memory_space<vmem>>) semaphore(%dma_start3A_250 : memref<!tpu.dma_semaphore, #tpu.memory_space<semaphore_mem>>)
    %dma_start3A_251 = arith.constant 6 : i32
    %dma_start3A_252 = arith.constant 0 : i32
    %dma_start3A_253 = arith.constant 6 : i32
    %dma_start3A_254 = arith.constant 0 : i32
    %dma_start3A_255 = arith.constant 0 : i32
    %dma_start3A_256 = tpu.memref_slice %arg11[%dma_start3A_251, %dma_start3A_254, %dma_start3A_255] : memref<8x32x128xf32, #tpu.memory_space<vmem>> -> memref<1x32x128xf32, #tpu.memory_space<vmem>>
    %dma_start3A_257 = tpu.memref_squeeze %dma_start3A_256 : memref<1x32x128xf32, #tpu.memory_space<vmem>> -> memref<32x128xf32, #tpu.memory_space<vmem>>
    %dma_start3A_258 = arith.constant 192 : i32
    %dma_start3A_259 = tpu.memref_slice %arg9[%dma_start3A_258] : memref<512xi32, #tpu.memory_space<vmem>> -> memref<32xi32, #tpu.memory_space<vmem>>
    %dma_start3A_260 = arith.constant 0 : i32
    %dma_start3A_261 = arith.constant 0 : i32
    %dma_start3A_262 = tpu.memref_slice %arg4[%dma_start3A_260, %dma_start3A_261] : memref<100000x128xf32, #tpu.memory_space<hbm>> -> memref<100000x128xf32, #tpu.memory_space<hbm>>
    %dma_start3A_263 = tpu.memref_slice %arg17[%dma_start3A_252, %dma_start3A_253] : memref<2x8x!tpu.dma_semaphore, #tpu.memory_space<semaphore_mem>> -> memref<1x1x!tpu.dma_semaphore, #tpu.memory_space<semaphore_mem>>
    %dma_start3A_264 = tpu.memref_squeeze %dma_start3A_263 : memref<1x1x!tpu.dma_semaphore, #tpu.memory_space<semaphore_mem>> -> memref<!tpu.dma_semaphore, #tpu.memory_space<semaphore_mem>>
    tpu.enqueue_indirect_dma source(%dma_start3A_262 : memref<100000x128xf32, #tpu.memory_space<hbm>>) target(%dma_start3A_257 : memref<32x128xf32, #tpu.memory_space<vmem>>) offsets(%dma_start3A_259 : memref<32xi32, #tpu.memory_space<vmem>>) semaphore(%dma_start3A_264 : memref<!tpu.dma_semaphore, #tpu.memory_space<semaphore_mem>>)
    %dma_start3A_265 = arith.constant 6 : i32
    %dma_start3A_266 = arith.constant 1 : i32
    %dma_start3A_267 = arith.constant 6 : i32
    %dma_start3A_268 = arith.constant 0 : i32
    %dma_start3A_269 = arith.constant 0 : i32
    %dma_start3A_270 = tpu.memref_slice %arg12[%dma_start3A_265, %dma_start3A_268, %dma_start3A_269] : memref<8x32x128xf32, #tpu.memory_space<vmem>> -> memref<1x32x128xf32, #tpu.memory_space<vmem>>
    %dma_start3A_271 = tpu.memref_squeeze %dma_start3A_270 : memref<1x32x128xf32, #tpu.memory_space<vmem>> -> memref<32x128xf32, #tpu.memory_space<vmem>>
    %dma_start3A_272 = arith.constant 192 : i32
    %dma_start3A_273 = tpu.memref_slice %arg10[%dma_start3A_272] : memref<512xi32, #tpu.memory_space<vmem>> -> memref<32xi32, #tpu.memory_space<vmem>>
    %dma_start3A_274 = arith.constant 0 : i32
    %dma_start3A_275 = arith.constant 0 : i32
    %dma_start3A_276 = tpu.memref_slice %arg5[%dma_start3A_274, %dma_start3A_275] : memref<100000x128xf32, #tpu.memory_space<hbm>> -> memref<100000x128xf32, #tpu.memory_space<hbm>>
    %dma_start3A_277 = tpu.memref_slice %arg17[%dma_start3A_266, %dma_start3A_267] : memref<2x8x!tpu.dma_semaphore, #tpu.memory_space<semaphore_mem>> -> memref<1x1x!tpu.dma_semaphore, #tpu.memory_space<semaphore_mem>>
    %dma_start3A_278 = tpu.memref_squeeze %dma_start3A_277 : memref<1x1x!tpu.dma_semaphore, #tpu.memory_space<semaphore_mem>> -> memref<!tpu.dma_semaphore, #tpu.memory_space<semaphore_mem>>
    tpu.enqueue_indirect_dma source(%dma_start3A_276 : memref<100000x128xf32, #tpu.memory_space<hbm>>) target(%dma_start3A_271 : memref<32x128xf32, #tpu.memory_space<vmem>>) offsets(%dma_start3A_273 : memref<32xi32, #tpu.memory_space<vmem>>) semaphore(%dma_start3A_278 : memref<!tpu.dma_semaphore, #tpu.memory_space<semaphore_mem>>)
    %dma_wait3A_279 = arith.constant 0 : i32
    %dma_wait3A_280 = tpu.memref_slice %arg18[%dma_wait3A_279] : memref<4x!tpu.dma_semaphore, #tpu.memory_space<semaphore_mem>> -> memref<1x!tpu.dma_semaphore, #tpu.memory_space<semaphore_mem>>
    %dma_wait3A_281 = tpu.memref_squeeze %dma_wait3A_280 : memref<1x!tpu.dma_semaphore, #tpu.memory_space<semaphore_mem>> -> memref<!tpu.dma_semaphore, #tpu.memory_space<semaphore_mem>>
    tpu.wait_dma2 semaphore(%dma_wait3A_281 : memref<!tpu.dma_semaphore, #tpu.memory_space<semaphore_mem>>) src(%arg6 : memref<1x128xf32, #tpu.memory_space<hbm>>) dst(%arg15 : memref<1x128xf32, #tpu.memory_space<vmem>>)
    %dma_wait3A_282 = arith.constant 1 : i32
    %dma_wait3A_283 = tpu.memref_slice %arg18[%dma_wait3A_282] : memref<4x!tpu.dma_semaphore, #tpu.memory_space<semaphore_mem>> -> memref<1x!tpu.dma_semaphore, #tpu.memory_space<semaphore_mem>>
    %dma_wait3A_284 = tpu.memref_squeeze %dma_wait3A_283 : memref<1x!tpu.dma_semaphore, #tpu.memory_space<semaphore_mem>> -> memref<!tpu.dma_semaphore, #tpu.memory_space<semaphore_mem>>
    tpu.wait_dma2 semaphore(%dma_wait3A_284 : memref<!tpu.dma_semaphore, #tpu.memory_space<semaphore_mem>>) src(%arg7 : memref<16xf32, #tpu.memory_space<hbm>>) dst(%arg16 : memref<16xf32, #tpu.memory_space<vmem>>)
    %iota3A = tpu.iota {dimensions = array<i32: 0>} : vector<16xi32>
    %broadcast_in_dim3A = arith.constant 0 : i32
    %broadcast_in_dim3A_285 = vector.broadcast %broadcast_in_dim3A : i32 to vector<16xi32>
    %get3A = arith.constant 0 : i32
    %get3A_286 = arith.index_cast %get3A : i32 to index
    %get3A_287 = arith.constant 0 : index
    %get3A_288 = tpu.vector_load %arg15[%get3A_286, %get3A_287] {strides = array<i32>} : memref<1x128xf32, #tpu.memory_space<vmem>>, vector<16xf32>,
    %get3A_289 = arith.constant 0 : i32
    %get3A_290 = arith.index_cast %get3A_289 : i32 to index
    %get3A_291 = arith.constant 16 : index
    %get3A_292 = tpu.vector_load %arg15[%get3A_290, %get3A_291] {strides = array<i32>} : memref<1x128xf32, #tpu.memory_space<vmem>>, vector<16xf32>,
    %get3A_293 = arith.constant 0 : i32
    %get3A_294 = arith.index_cast %get3A_293 : i32 to index
    %get3A_295 = arith.constant 32 : index
    %get3A_296 = tpu.vector_load %arg15[%get3A_294, %get3A_295] {strides = array<i32>} : memref<1x128xf32, #tpu.memory_space<vmem>>, vector<16xf32>,
    %get3A_297 = arith.constant 0 : i32
    %get3A_298 = arith.index_cast %get3A_297 : i32 to index
    %get3A_299 = arith.constant 48 : index
    %get3A_300 = tpu.vector_load %arg15[%get3A_298, %get3A_299] {strides = array<i32>} : memref<1x128xf32, #tpu.memory_space<vmem>>, vector<16xf32>,
    %get3A_301 = arith.constant 0 : i32
    %get3A_302 = arith.index_cast %get3A_301 : i32 to index
    %get3A_303 = arith.constant 64 : index
    %get3A_304 = tpu.vector_load %arg15[%get3A_302, %get3A_303] {strides = array<i32>} : memref<1x128xf32, #tpu.memory_space<vmem>>, vector<16xf32>,
    %get3A_305 = arith.constant 0 : i32
    %get3A_306 = arith.index_cast %get3A_305 : i32 to index
    %get3A_307 = arith.constant 80 : index
    %get3A_308 = tpu.vector_load %arg15[%get3A_306, %get3A_307] {strides = array<i32>} : memref<1x128xf32, #tpu.memory_space<vmem>>, vector<16xf32>,
    %get3A_309 = arith.constant 0 : i32
    %get3A_310 = arith.index_cast %get3A_309 : i32 to index
    %get3A_311 = arith.constant 96 : index
    %get3A_312 = tpu.vector_load %arg15[%get3A_310, %get3A_311] {strides = array<i32>} : memref<1x128xf32, #tpu.memory_space<vmem>>, vector<16xf32>,
    %get3A_313 = arith.constant 0 : i32
    %get3A_314 = arith.index_cast %get3A_313 : i32 to index
    %get3A_315 = arith.constant 112 : index
    %get3A_316 = tpu.vector_load %arg15[%get3A_314, %get3A_315] {strides = array<i32>} : memref<1x128xf32, #tpu.memory_space<vmem>>, vector<16xf32>,
    %get3A_317 = arith.constant 0 : index
    %get3A_318 = tpu.vector_load %arg16[%get3A_317] {strides = array<i32>} : memref<16xf32, #tpu.memory_space<vmem>>, vector<16xf32>,
    %broadcast_in_dim3A_319 = arith.constant 0.000000e+00 : f32
    %broadcast_in_dim3A_320 = vector.broadcast %broadcast_in_dim3A_319 : f32 to vector<16xf32>
    %scan3A = arith.constant 0 : i32
    %scan3A_321 = arith.constant 0 : i32
    %scan3A_322 = arith.constant 16 : i32
    %scan3A_323 = arith.addi %scan3A_321, %scan3A_322 : i32
    %scan3A_324 = arith.constant 1 : i32
    scf.for %scan3A_326 = %scan3A_321 to %scan3A_323 step %scan3A_324  : i32 {
      %rem3A = arith.constant 8 : i32
      %rem3A_327 = arith.remsi %scan3A_326, %rem3A : i32
      %add3A_328 = arith.constant 7 : i32
      %add3A_329 = arith.addi %scan3A_326, %add3A_328 : i32
      %lt3A = arith.constant 16 : i32
      %lt3A_330 = arith.cmpi slt, %add3A_329, %lt3A : i32
      %convert_element_type3A = arith.extui %lt3A_330 : i1 to i32
      %cond3A = arith.constant 0 : i32
      %cond3A_331 = arith.cmpi ne, %convert_element_type3A, %cond3A : i32
      scf.if %cond3A_331 {
        %add3A_363 = arith.constant 7 : i32
        %add3A_364 = arith.addi %scan3A_326, %add3A_363 : i32
        %add3A_365 = arith.constant 7 : i32
        %add3A_366 = arith.addi %scan3A_326, %add3A_365 : i32
        %rem3A_367 = arith.constant 8 : i32
        %rem3A_368 = arith.remsi %add3A_366, %rem3A_367 : i32
        %mul3A_369 = arith.constant 32 : i32
        %mul3A_370 = arith.muli %add3A_364, %mul3A_369 : i32
        %dma_start3A_371 = arith.constant 0 : i32
        %dma_start3A_372 = arith.constant 0 : i32
        %dma_start3A_373 = arith.constant 0 : i32
        %dma_start3A_374 = tpu.memref_slice %arg11[%rem3A_368, %dma_start3A_372, %dma_start3A_373] : memref<8x32x128xf32, #tpu.memory_space<vmem>> -> memref<1x32x128xf32, #tpu.memory_space<vmem>>
        %dma_start3A_375 = tpu.memref_squeeze %dma_start3A_374 : memref<1x32x128xf32, #tpu.memory_space<vmem>> -> memref<32x128xf32, #tpu.memory_space<vmem>>
        %dma_start3A_376 = tpu.memref_slice %arg9[%mul3A_370] : memref<512xi32, #tpu.memory_space<vmem>> -> memref<32xi32, #tpu.memory_space<vmem>>
        %dma_start3A_377 = arith.constant 0 : i32
        %dma_start3A_378 = arith.constant 0 : i32
        %dma_start3A_379 = tpu.memref_slice %arg4[%dma_start3A_377, %dma_start3A_378] : memref<100000x128xf32, #tpu.memory_space<hbm>> -> memref<100000x128xf32, #tpu.memory_space<hbm>>
        %dma_start3A_380 = tpu.memref_slice %arg17[%dma_start3A_371, %rem3A_368] : memref<2x8x!tpu.dma_semaphore, #tpu.memory_space<semaphore_mem>> -> memref<1x1x!tpu.dma_semaphore, #tpu.memory_space<semaphore_mem>>
        %dma_start3A_381 = tpu.memref_squeeze %dma_start3A_380 : memref<1x1x!tpu.dma_semaphore, #tpu.memory_space<semaphore_mem>> -> memref<!tpu.dma_semaphore, #tpu.memory_space<semaphore_mem>>
        tpu.enqueue_indirect_dma source(%dma_start3A_379 : memref<100000x128xf32, #tpu.memory_space<hbm>>) target(%dma_start3A_375 : memref<32x128xf32, #tpu.memory_space<vmem>>) offsets(%dma_start3A_376 : memref<32xi32, #tpu.memory_space<vmem>>) semaphore(%dma_start3A_381 : memref<!tpu.dma_semaphore, #tpu.memory_space<semaphore_mem>>)
        %mul3A_382 = arith.constant 32 : i32
        %mul3A_383 = arith.muli %add3A_364, %mul3A_382 : i32
        %dma_start3A_384 = arith.constant 1 : i32
        %dma_start3A_385 = arith.constant 0 : i32
        %dma_start3A_386 = arith.constant 0 : i32
        %dma_start3A_387 = tpu.memref_slice %arg12[%rem3A_368, %dma_start3A_385, %dma_start3A_386] : memref<8x32x128xf32, #tpu.memory_space<vmem>> -> memref<1x32x128xf32, #tpu.memory_space<vmem>>
        %dma_start3A_388 = tpu.memref_squeeze %dma_start3A_387 : memref<1x32x128xf32, #tpu.memory_space<vmem>> -> memref<32x128xf32, #tpu.memory_space<vmem>>
        %dma_start3A_389 = tpu.memref_slice %arg10[%mul3A_383] : memref<512xi32, #tpu.memory_space<vmem>> -> memref<32xi32, #tpu.memory_space<vmem>>
        %dma_start3A_390 = arith.constant 0 : i32
        %dma_start3A_391 = arith.constant 0 : i32
        %dma_start3A_392 = tpu.memref_slice %arg5[%dma_start3A_390, %dma_start3A_391] : memref<100000x128xf32, #tpu.memory_space<hbm>> -> memref<100000x128xf32, #tpu.memory_space<hbm>>
        %dma_start3A_393 = tpu.memref_slice %arg17[%dma_start3A_384, %rem3A_368] : memref<2x8x!tpu.dma_semaphore, #tpu.memory_space<semaphore_mem>> -> memref<1x1x!tpu.dma_semaphore, #tpu.memory_space<semaphore_mem>>
        %dma_start3A_394 = tpu.memref_squeeze %dma_start3A_393 : memref<1x1x!tpu.dma_semaphore, #tpu.memory_space<semaphore_mem>> -> memref<!tpu.dma_semaphore, #tpu.memory_space<semaphore_mem>>
        tpu.enqueue_indirect_dma source(%dma_start3A_392 : memref<100000x128xf32, #tpu.memory_space<hbm>>) target(%dma_start3A_388 : memref<32x128xf32, #tpu.memory_space<vmem>>) offsets(%dma_start3A_389 : memref<32xi32, #tpu.memory_space<vmem>>) semaphore(%dma_start3A_394 : memref<!tpu.dma_semaphore, #tpu.memory_space<semaphore_mem>>)
      } else {
      }
      %mul3A_332 = arith.constant 32 : i32
      %mul3A_333 = arith.muli %scan3A_326, %mul3A_332 : i32
      %dma_wait3A_334 = arith.constant 0 : i32
      %dma_wait3A_335 = arith.constant 0 : i32
      %dma_wait3A_336 = arith.constant 0 : i32
      %dma_wait3A_337 = tpu.memref_slice %arg11[%rem3A_327, %dma_wait3A_335, %dma_wait3A_336] : memref<8x32x128xf32, #tpu.memory_space<vmem>> -> memref<1x32x128xf32, #tpu.memory_space<vmem>>
      %dma_wait3A_338 = tpu.memref_squeeze %dma_wait3A_337 : memref<1x32x128xf32, #tpu.memory_space<vmem>> -> memref<32x128xf32, #tpu.memory_space<vmem>>
      %dma_wait3A_339 = tpu.memref_slice %arg9[%mul3A_333] : memref<512xi32, #tpu.memory_space<vmem>> -> memref<32xi32, #tpu.memory_space<vmem>>
      %dma_wait3A_340 = arith.constant 0 : i32
      %dma_wait3A_341 = arith.constant 0 : i32
      %dma_wait3A_342 = tpu.memref_slice %arg4[%dma_wait3A_340, %dma_wait3A_341] : memref<100000x128xf32, #tpu.memory_space<hbm>> -> memref<100000x128xf32, #tpu.memory_space<hbm>>
      %dma_wait3A_343 = tpu.memref_slice %arg17[%dma_wait3A_334, %rem3A_327] : memref<2x8x!tpu.dma_semaphore, #tpu.memory_space<semaphore_mem>> -> memref<1x1x!tpu.dma_semaphore, #tpu.memory_space<semaphore_mem>>
      %dma_wait3A_344 = tpu.memref_squeeze %dma_wait3A_343 : memref<1x1x!tpu.dma_semaphore, #tpu.memory_space<semaphore_mem>> -> memref<!tpu.dma_semaphore, #tpu.memory_space<semaphore_mem>>
      tpu.wait_indirect_dma semaphore(%dma_wait3A_344 : memref<!tpu.dma_semaphore, #tpu.memory_space<semaphore_mem>>) src(%dma_wait3A_342 : memref<100000x128xf32, #tpu.memory_space<hbm>>) dst(%dma_wait3A_338 : memref<32x128xf32, #tpu.memory_space<vmem>>)
      %mul3A_345 = arith.constant 32 : i32
      %mul3A_346 = arith.muli %scan3A_326, %mul3A_345 : i32
      %dma_wait3A_347 = arith.constant 1 : i32
      %dma_wait3A_348 = arith.constant 0 : i32
      %dma_wait3A_349 = arith.constant 0 : i32
      %dma_wait3A_350 = tpu.memref_slice %arg12[%rem3A_327, %dma_wait3A_348, %dma_wait3A_349] : memref<8x32x128xf32, #tpu.memory_space<vmem>> -> memref<1x32x128xf32, #tpu.memory_space<vmem>>
      %dma_wait3A_351 = tpu.memref_squeeze %dma_wait3A_350 : memref<1x32x128xf32, #tpu.memory_space<vmem>> -> memref<32x128xf32, #tpu.memory_space<vmem>>
      %dma_wait3A_352 = tpu.memref_slice %arg10[%mul3A_346] : memref<512xi32, #tpu.memory_space<vmem>> -> memref<32xi32, #tpu.memory_space<vmem>>
      %dma_wait3A_353 = arith.constant 0 : i32
      %dma_wait3A_354 = arith.constant 0 : i32
      %dma_wait3A_355 = tpu.memref_slice %arg5[%dma_wait3A_353, %dma_wait3A_354] : memref<100000x128xf32, #tpu.memory_space<hbm>> -> memref<100000x128xf32, #tpu.memory_space<hbm>>
      %dma_wait3A_356 = tpu.memref_slice %arg17[%dma_wait3A_347, %rem3A_327] : memref<2x8x!tpu.dma_semaphore, #tpu.memory_space<semaphore_mem>> -> memref<1x1x!tpu.dma_semaphore, #tpu.memory_space<semaphore_mem>>
      %dma_wait3A_357 = tpu.memref_squeeze %dma_wait3A_356 : memref<1x1x!tpu.dma_semaphore, #tpu.memory_space<semaphore_mem>> -> memref<!tpu.dma_semaphore, #tpu.memory_space<semaphore_mem>>
      tpu.wait_indirect_dma semaphore(%dma_wait3A_357 : memref<!tpu.dma_semaphore, #tpu.memory_space<semaphore_mem>>) src(%dma_wait3A_355 : memref<100000x128xf32, #tpu.memory_space<hbm>>) dst(%dma_wait3A_351 : memref<32x128xf32, #tpu.memory_space<vmem>>)
      %parallel_loop3A = arith.constant 0 : i32
      %parallel_loop3A_358 = arith.constant 32 : i32
      %parallel_loop3A_359 = arith.constant 1 : i32
      scf.for %parallel_loop3A_363 = %parallel_loop3A to %parallel_loop3A_358 step %parallel_loop3A_359  : i32 {
        %parallel_loop3A_364 = arith.index_cast %rem3A_327 : i32 to index
        %parallel_loop3A_365 = arith.index_cast %parallel_loop3A_363 : i32 to index
        %parallel_loop3A_366 = arith.constant 0 : index
        %parallel_loop3A_367 = tpu.vector_load %arg11[%parallel_loop3A_364, %parallel_loop3A_365, %parallel_loop3A_366] {strides = array<i32>} : memref<8x32x128xf32, #tpu.memory_space<vmem>>, vector<16xf32>,
        %parallel_loop3A_368 = arith.index_cast %rem3A_327 : i32 to index
        %parallel_loop3A_369 = arith.index_cast %parallel_loop3A_363 : i32 to index
        %parallel_loop3A_370 = arith.constant 0 : index
        %parallel_loop3A_371 = tpu.vector_load %arg12[%parallel_loop3A_368, %parallel_loop3A_369, %parallel_loop3A_370] {strides = array<i32>} : memref<8x32x128xf32, #tpu.memory_space<vmem>>, vector<16xf32>,
        %parallel_loop3A_372 = arith.mulf %parallel_loop3A_367, %parallel_loop3A_371 : vector<16xf32>
        %parallel_loop3A_373 = arith.mulf %parallel_loop3A_372, %get3A_288 : vector<16xf32>
        %parallel_loop3A_374 = arith.index_cast %rem3A_327 : i32 to index
        %parallel_loop3A_375 = arith.index_cast %parallel_loop3A_363 : i32 to index
        %parallel_loop3A_376 = arith.constant 16 : index
        %parallel_loop3A_377 = tpu.vector_load %arg11[%parallel_loop3A_374, %parallel_loop3A_375, %parallel_loop3A_376] {strides = array<i32>} : memref<8x32x128xf32, #tpu.memory_space<vmem>>, vector<16xf32>,
        %parallel_loop3A_378 = arith.index_cast %rem3A_327 : i32 to index
        %parallel_loop3A_379 = arith.index_cast %parallel_loop3A_363 : i32 to index
        %parallel_loop3A_380 = arith.constant 16 : index
        %parallel_loop3A_381 = tpu.vector_load %arg12[%parallel_loop3A_378, %parallel_loop3A_379, %parallel_loop3A_380] {strides = array<i32>} : memref<8x32x128xf32, #tpu.memory_space<vmem>>, vector<16xf32>,
        %parallel_loop3A_382 = arith.mulf %parallel_loop3A_377, %parallel_loop3A_381 : vector<16xf32>
        %parallel_loop3A_383 = arith.mulf %parallel_loop3A_382, %get3A_292 : vector<16xf32>
        %parallel_loop3A_384 = arith.index_cast %rem3A_327 : i32 to index
        %parallel_loop3A_385 = arith.index_cast %parallel_loop3A_363 : i32 to index
        %parallel_loop3A_386 = arith.constant 32 : index
        %parallel_loop3A_387 = tpu.vector_load %arg11[%parallel_loop3A_384, %parallel_loop3A_385, %parallel_loop3A_386] {strides = array<i32>} : memref<8x32x128xf32, #tpu.memory_space<vmem>>, vector<16xf32>,
        %parallel_loop3A_388 = arith.index_cast %rem3A_327 : i32 to index
        %parallel_loop3A_389 = arith.index_cast %parallel_loop3A_363 : i32 to index
        %parallel_loop3A_390 = arith.constant 32 : index
        %parallel_loop3A_391 = tpu.vector_load %arg12[%parallel_loop3A_388, %parallel_loop3A_389, %parallel_loop3A_390] {strides = array<i32>} : memref<8x32x128xf32, #tpu.memory_space<vmem>>, vector<16xf32>,
        %parallel_loop3A_392 = arith.mulf %parallel_loop3A_387, %parallel_loop3A_391 : vector<16xf32>
        %parallel_loop3A_393 = arith.mulf %parallel_loop3A_392, %get3A_296 : vector<16xf32>
        %parallel_loop3A_394 = arith.index_cast %rem3A_327 : i32 to index
        %parallel_loop3A_395 = arith.index_cast %parallel_loop3A_363 : i32 to index
        %parallel_loop3A_396 = arith.constant 48 : index
        %parallel_loop3A_397 = tpu.vector_load %arg11[%parallel_loop3A_394, %parallel_loop3A_395, %parallel_loop3A_396] {strides = array<i32>} : memref<8x32x128xf32, #tpu.memory_space<vmem>>, vector<16xf32>,
        %parallel_loop3A_398 = arith.index_cast %rem3A_327 : i32 to index
        %parallel_loop3A_399 = arith.index_cast %parallel_loop3A_363 : i32 to index
        %parallel_loop3A_400 = arith.constant 48 : index
        %parallel_loop3A_401 = tpu.vector_load %arg12[%parallel_loop3A_398, %parallel_loop3A_399, %parallel_loop3A_400] {strides = array<i32>} : memref<8x32x128xf32, #tpu.memory_space<vmem>>, vector<16xf32>,
        %parallel_loop3A_402 = arith.mulf %parallel_loop3A_397, %parallel_loop3A_401 : vector<16xf32>
        %parallel_loop3A_403 = arith.mulf %parallel_loop3A_402, %get3A_300 : vector<16xf32>
        %parallel_loop3A_404 = arith.index_cast %rem3A_327 : i32 to index
        %parallel_loop3A_405 = arith.index_cast %parallel_loop3A_363 : i32 to index
        %parallel_loop3A_406 = arith.constant 64 : index
        %parallel_loop3A_407 = tpu.vector_load %arg11[%parallel_loop3A_404, %parallel_loop3A_405, %parallel_loop3A_406] {strides = array<i32>} : memref<8x32x128xf32, #tpu.memory_space<vmem>>, vector<16xf32>,
        %parallel_loop3A_408 = arith.index_cast %rem3A_327 : i32 to index
        %parallel_loop3A_409 = arith.index_cast %parallel_loop3A_363 : i32 to index
        %parallel_loop3A_410 = arith.constant 64 : index
        %parallel_loop3A_411 = tpu.vector_load %arg12[%parallel_loop3A_408, %parallel_loop3A_409, %parallel_loop3A_410] {strides = array<i32>} : memref<8x32x128xf32, #tpu.memory_space<vmem>>, vector<16xf32>,
        %parallel_loop3A_412 = arith.mulf %parallel_loop3A_407, %parallel_loop3A_411 : vector<16xf32>
        %parallel_loop3A_413 = arith.mulf %parallel_loop3A_412, %get3A_304 : vector<16xf32>
        %parallel_loop3A_414 = arith.index_cast %rem3A_327 : i32 to index
        %parallel_loop3A_415 = arith.index_cast %parallel_loop3A_363 : i32 to index
        %parallel_loop3A_416 = arith.constant 80 : index
        %parallel_loop3A_417 = tpu.vector_load %arg11[%parallel_loop3A_414, %parallel_loop3A_415, %parallel_loop3A_416] {strides = array<i32>} : memref<8x32x128xf32, #tpu.memory_space<vmem>>, vector<16xf32>,
        %parallel_loop3A_418 = arith.index_cast %rem3A_327 : i32 to index
        %parallel_loop3A_419 = arith.index_cast %parallel_loop3A_363 : i32 to index
        %parallel_loop3A_420 = arith.constant 80 : index
        %parallel_loop3A_421 = tpu.vector_load %arg12[%parallel_loop3A_418, %parallel_loop3A_419, %parallel_loop3A_420] {strides = array<i32>} : memref<8x32x128xf32, #tpu.memory_space<vmem>>, vector<16xf32>,
        %parallel_loop3A_422 = arith.mulf %parallel_loop3A_417, %parallel_loop3A_421 : vector<16xf32>
        %parallel_loop3A_423 = arith.mulf %parallel_loop3A_422, %get3A_308 : vector<16xf32>
        %parallel_loop3A_424 = arith.index_cast %rem3A_327 : i32 to index
        %parallel_loop3A_425 = arith.index_cast %parallel_loop3A_363 : i32 to index
        %parallel_loop3A_426 = arith.constant 96 : index
        %parallel_loop3A_427 = tpu.vector_load %arg11[%parallel_loop3A_424, %parallel_loop3A_425, %parallel_loop3A_426] {strides = array<i32>} : memref<8x32x128xf32, #tpu.memory_space<vmem>>, vector<16xf32>,
        %parallel_loop3A_428 = arith.index_cast %rem3A_327 : i32 to index
        %parallel_loop3A_429 = arith.index_cast %parallel_loop3A_363 : i32 to index
        %parallel_loop3A_430 = arith.constant 96 : index
        %parallel_loop3A_431 = tpu.vector_load %arg12[%parallel_loop3A_428, %parallel_loop3A_429, %parallel_loop3A_430] {strides = array<i32>} : memref<8x32x128xf32, #tpu.memory_space<vmem>>, vector<16xf32>,
        %parallel_loop3A_432 = arith.mulf %parallel_loop3A_427, %parallel_loop3A_431 : vector<16xf32>
        %parallel_loop3A_433 = arith.mulf %parallel_loop3A_432, %get3A_312 : vector<16xf32>
        %parallel_loop3A_434 = arith.index_cast %rem3A_327 : i32 to index
        %parallel_loop3A_435 = arith.index_cast %parallel_loop3A_363 : i32 to index
        %parallel_loop3A_436 = arith.constant 112 : index
        %parallel_loop3A_437 = tpu.vector_load %arg11[%parallel_loop3A_434, %parallel_loop3A_435, %parallel_loop3A_436] {strides = array<i32>} : memref<8x32x128xf32, #tpu.memory_space<vmem>>, vector<16xf32>,
        %parallel_loop3A_438 = arith.index_cast %rem3A_327 : i32 to index
        %parallel_loop3A_439 = arith.index_cast %parallel_loop3A_363 : i32 to index
        %parallel_loop3A_440 = arith.constant 112 : index
        %parallel_loop3A_441 = tpu.vector_load %arg12[%parallel_loop3A_438, %parallel_loop3A_439, %parallel_loop3A_440] {strides = array<i32>} : memref<8x32x128xf32, #tpu.memory_space<vmem>>, vector<16xf32>,
        %parallel_loop3A_442 = arith.mulf %parallel_loop3A_437, %parallel_loop3A_441 : vector<16xf32>
        %parallel_loop3A_443 = arith.mulf %parallel_loop3A_442, %get3A_316 : vector<16xf32>
        %parallel_loop3A_444 = arith.addf %parallel_loop3A_373, %parallel_loop3A_383 : vector<16xf32>
        %parallel_loop3A_445 = arith.addf %parallel_loop3A_393, %parallel_loop3A_403 : vector<16xf32>
        %parallel_loop3A_446 = arith.addf %parallel_loop3A_444, %parallel_loop3A_445 : vector<16xf32>
        %parallel_loop3A_447 = arith.addf %parallel_loop3A_413, %parallel_loop3A_423 : vector<16xf32>
        %parallel_loop3A_448 = arith.addf %parallel_loop3A_433, %parallel_loop3A_443 : vector<16xf32>
        %parallel_loop3A_449 = arith.addf %parallel_loop3A_447, %parallel_loop3A_448 : vector<16xf32>
        %parallel_loop3A_450 = arith.addf %parallel_loop3A_446, %parallel_loop3A_449 : vector<16xf32>
        %parallel_loop3A_451 = vector.broadcast %parallel_loop3A_363 : i32 to vector<16xi32>
        %parallel_loop3A_452 = arith.addi %broadcast_in_dim3A_285, %parallel_loop3A_451 : vector<16xi32>
        tpu.vector_store_idx %arg13[%iota3A, %parallel_loop3A_452], %parallel_loop3A_450 : memref<16x32xf32, #tpu.memory_space<vmem>>[vector<16xi32>, vector<16xi32>], vector<16xf32>,
      } {sc.loop_unroll_factor = 4 : i64, sc.parallel_access}
      %parallel_loop3A_360 = arith.constant 0 : i32
      %parallel_loop3A_361 = arith.constant 2 : i32
      %parallel_loop3A_362 = arith.constant 1 : i32
      scf.for %parallel_loop3A_363 = %parallel_loop3A_360 to %parallel_loop3A_361 step %parallel_loop3A_362  : i32 {
        %parallel_loop3A_364 = arith.constant 16 : i32
        %parallel_loop3A_365 = arith.muli %parallel_loop3A_363, %parallel_loop3A_364 : i32
        %parallel_loop3A_366 = arith.constant 0 : i32
        %parallel_loop3A_367 = arith.index_cast %parallel_loop3A_366 : i32 to index
        %parallel_loop3A_368 = arith.index_cast %parallel_loop3A_365 : i32 to index
        %parallel_loop3A_369 = tpu.vector_load %arg13[%parallel_loop3A_367, %parallel_loop3A_368] {strides = array<i32>} : memref<16x32xf32, #tpu.memory_space<vmem>>, vector<16xf32>,
        %parallel_loop3A_370 = arith.constant 16 : i32
        %parallel_loop3A_371 = arith.muli %parallel_loop3A_363, %parallel_loop3A_370 : i32
        %parallel_loop3A_372 = arith.constant 1 : i32
        %parallel_loop3A_373 = arith.index_cast %parallel_loop3A_372 : i32 to index
        %parallel_loop3A_374 = arith.index_cast %parallel_loop3A_371 : i32 to index
        %parallel_loop3A_375 = tpu.vector_load %arg13[%parallel_loop3A_373, %parallel_loop3A_374] {strides = array<i32>} : memref<16x32xf32, #tpu.memory_space<vmem>>, vector<16xf32>,
        %parallel_loop3A_376 = arith.constant 16 : i32
        %parallel_loop3A_377 = arith.muli %parallel_loop3A_363, %parallel_loop3A_376 : i32
        %parallel_loop3A_378 = arith.constant 2 : i32
        %parallel_loop3A_379 = arith.index_cast %parallel_loop3A_378 : i32 to index
        %parallel_loop3A_380 = arith.index_cast %parallel_loop3A_377 : i32 to index
        %parallel_loop3A_381 = tpu.vector_load %arg13[%parallel_loop3A_379, %parallel_loop3A_380] {strides = array<i32>} : memref<16x32xf32, #tpu.memory_space<vmem>>, vector<16xf32>,
        %parallel_loop3A_382 = arith.constant 16 : i32
        %parallel_loop3A_383 = arith.muli %parallel_loop3A_363, %parallel_loop3A_382 : i32
        %parallel_loop3A_384 = arith.constant 3 : i32
        %parallel_loop3A_385 = arith.index_cast %parallel_loop3A_384 : i32 to index
        %parallel_loop3A_386 = arith.index_cast %parallel_loop3A_383 : i32 to index
        %parallel_loop3A_387 = tpu.vector_load %arg13[%parallel_loop3A_385, %parallel_loop3A_386] {strides = array<i32>} : memref<16x32xf32, #tpu.memory_space<vmem>>, vector<16xf32>,
        %parallel_loop3A_388 = arith.constant 16 : i32
        %parallel_loop3A_389 = arith.muli %parallel_loop3A_363, %parallel_loop3A_388 : i32
        %parallel_loop3A_390 = arith.constant 4 : i32
        %parallel_loop3A_391 = arith.index_cast %parallel_loop3A_390 : i32 to index
        %parallel_loop3A_392 = arith.index_cast %parallel_loop3A_389 : i32 to index
        %parallel_loop3A_393 = tpu.vector_load %arg13[%parallel_loop3A_391, %parallel_loop3A_392] {strides = array<i32>} : memref<16x32xf32, #tpu.memory_space<vmem>>, vector<16xf32>,
        %parallel_loop3A_394 = arith.constant 16 : i32
        %parallel_loop3A_395 = arith.muli %parallel_loop3A_363, %parallel_loop3A_394 : i32
        %parallel_loop3A_396 = arith.constant 5 : i32
        %parallel_loop3A_397 = arith.index_cast %parallel_loop3A_396 : i32 to index
        %parallel_loop3A_398 = arith.index_cast %parallel_loop3A_395 : i32 to index
        %parallel_loop3A_399 = tpu.vector_load %arg13[%parallel_loop3A_397, %parallel_loop3A_398] {strides = array<i32>} : memref<16x32xf32, #tpu.memory_space<vmem>>, vector<16xf32>,
        %parallel_loop3A_400 = arith.constant 16 : i32
        %parallel_loop3A_401 = arith.muli %parallel_loop3A_363, %parallel_loop3A_400 : i32
        %parallel_loop3A_402 = arith.constant 6 : i32
        %parallel_loop3A_403 = arith.index_cast %parallel_loop3A_402 : i32 to index
        %parallel_loop3A_404 = arith.index_cast %parallel_loop3A_401 : i32 to index
        %parallel_loop3A_405 = tpu.vector_load %arg13[%parallel_loop3A_403, %parallel_loop3A_404] {strides = array<i32>} : memref<16x32xf32, #tpu.memory_space<vmem>>, vector<16xf32>,
        %parallel_loop3A_406 = arith.constant 16 : i32
        %parallel_loop3A_407 = arith.muli %parallel_loop3A_363, %parallel_loop3A_406 : i32
        %parallel_loop3A_408 = arith.constant 7 : i32
        %parallel_loop3A_409 = arith.index_cast %parallel_loop3A_408 : i32 to index
        %parallel_loop3A_410 = arith.index_cast %parallel_loop3A_407 : i32 to index
        %parallel_loop3A_411 = tpu.vector_load %arg13[%parallel_loop3A_409, %parallel_loop3A_410] {strides = array<i32>} : memref<16x32xf32, #tpu.memory_space<vmem>>, vector<16xf32>,
        %parallel_loop3A_412 = arith.constant 16 : i32
        %parallel_loop3A_413 = arith.muli %parallel_loop3A_363, %parallel_loop3A_412 : i32
        %parallel_loop3A_414 = arith.constant 8 : i32
        %parallel_loop3A_415 = arith.index_cast %parallel_loop3A_414 : i32 to index
        %parallel_loop3A_416 = arith.index_cast %parallel_loop3A_413 : i32 to index
        %parallel_loop3A_417 = tpu.vector_load %arg13[%parallel_loop3A_415, %parallel_loop3A_416] {strides = array<i32>} : memref<16x32xf32, #tpu.memory_space<vmem>>, vector<16xf32>,
        %parallel_loop3A_418 = arith.constant 16 : i32
        %parallel_loop3A_419 = arith.muli %parallel_loop3A_363, %parallel_loop3A_418 : i32
        %parallel_loop3A_420 = arith.constant 9 : i32
        %parallel_loop3A_421 = arith.index_cast %parallel_loop3A_420 : i32 to index
        %parallel_loop3A_422 = arith.index_cast %parallel_loop3A_419 : i32 to index
        %parallel_loop3A_423 = tpu.vector_load %arg13[%parallel_loop3A_421, %parallel_loop3A_422] {strides = array<i32>} : memref<16x32xf32, #tpu.memory_space<vmem>>, vector<16xf32>,
        %parallel_loop3A_424 = arith.constant 16 : i32
        %parallel_loop3A_425 = arith.muli %parallel_loop3A_363, %parallel_loop3A_424 : i32
        %parallel_loop3A_426 = arith.constant 10 : i32
        %parallel_loop3A_427 = arith.index_cast %parallel_loop3A_426 : i32 to index
        %parallel_loop3A_428 = arith.index_cast %parallel_loop3A_425 : i32 to index
        %parallel_loop3A_429 = tpu.vector_load %arg13[%parallel_loop3A_427, %parallel_loop3A_428] {strides = array<i32>} : memref<16x32xf32, #tpu.memory_space<vmem>>, vector<16xf32>,
        %parallel_loop3A_430 = arith.constant 16 : i32
        %parallel_loop3A_431 = arith.muli %parallel_loop3A_363, %parallel_loop3A_430 : i32
        %parallel_loop3A_432 = arith.constant 11 : i32
        %parallel_loop3A_433 = arith.index_cast %parallel_loop3A_432 : i32 to index
        %parallel_loop3A_434 = arith.index_cast %parallel_loop3A_431 : i32 to index
        %parallel_loop3A_435 = tpu.vector_load %arg13[%parallel_loop3A_433, %parallel_loop3A_434] {strides = array<i32>} : memref<16x32xf32, #tpu.memory_space<vmem>>, vector<16xf32>,
        %parallel_loop3A_436 = arith.constant 16 : i32
        %parallel_loop3A_437 = arith.muli %parallel_loop3A_363, %parallel_loop3A_436 : i32
        %parallel_loop3A_438 = arith.constant 12 : i32
        %parallel_loop3A_439 = arith.index_cast %parallel_loop3A_438 : i32 to index
        %parallel_loop3A_440 = arith.index_cast %parallel_loop3A_437 : i32 to index
        %parallel_loop3A_441 = tpu.vector_load %arg13[%parallel_loop3A_439, %parallel_loop3A_440] {strides = array<i32>} : memref<16x32xf32, #tpu.memory_space<vmem>>, vector<16xf32>,
        %parallel_loop3A_442 = arith.constant 16 : i32
        %parallel_loop3A_443 = arith.muli %parallel_loop3A_363, %parallel_loop3A_442 : i32
        %parallel_loop3A_444 = arith.constant 13 : i32
        %parallel_loop3A_445 = arith.index_cast %parallel_loop3A_444 : i32 to index
        %parallel_loop3A_446 = arith.index_cast %parallel_loop3A_443 : i32 to index
        %parallel_loop3A_447 = tpu.vector_load %arg13[%parallel_loop3A_445, %parallel_loop3A_446] {strides = array<i32>} : memref<16x32xf32, #tpu.memory_space<vmem>>, vector<16xf32>,
        %parallel_loop3A_448 = arith.constant 16 : i32
        %parallel_loop3A_449 = arith.muli %parallel_loop3A_363, %parallel_loop3A_448 : i32
        %parallel_loop3A_450 = arith.constant 14 : i32
        %parallel_loop3A_451 = arith.index_cast %parallel_loop3A_450 : i32 to index
        %parallel_loop3A_452 = arith.index_cast %parallel_loop3A_449 : i32 to index
        %parallel_loop3A_453 = tpu.vector_load %arg13[%parallel_loop3A_451, %parallel_loop3A_452] {strides = array<i32>} : memref<16x32xf32, #tpu.memory_space<vmem>>, vector<16xf32>,
        %parallel_loop3A_454 = arith.constant 16 : i32
        %parallel_loop3A_455 = arith.muli %parallel_loop3A_363, %parallel_loop3A_454 : i32
        %parallel_loop3A_456 = arith.constant 15 : i32
        %parallel_loop3A_457 = arith.index_cast %parallel_loop3A_456 : i32 to index
        %parallel_loop3A_458 = arith.index_cast %parallel_loop3A_455 : i32 to index
        %parallel_loop3A_459 = tpu.vector_load %arg13[%parallel_loop3A_457, %parallel_loop3A_458] {strides = array<i32>} : memref<16x32xf32, #tpu.memory_space<vmem>>, vector<16xf32>,
        %parallel_loop3A_460 = arith.addf %parallel_loop3A_369, %parallel_loop3A_417 : vector<16xf32>
        %parallel_loop3A_461 = arith.addf %parallel_loop3A_375, %parallel_loop3A_423 : vector<16xf32>
        %parallel_loop3A_462 = arith.addf %parallel_loop3A_381, %parallel_loop3A_429 : vector<16xf32>
        %parallel_loop3A_463 = arith.addf %parallel_loop3A_387, %parallel_loop3A_435 : vector<16xf32>
        %parallel_loop3A_464 = arith.addf %parallel_loop3A_393, %parallel_loop3A_441 : vector<16xf32>
        %parallel_loop3A_465 = arith.addf %parallel_loop3A_399, %parallel_loop3A_447 : vector<16xf32>
        %parallel_loop3A_466 = arith.addf %parallel_loop3A_405, %parallel_loop3A_453 : vector<16xf32>
        %parallel_loop3A_467 = arith.addf %parallel_loop3A_411, %parallel_loop3A_459 : vector<16xf32>
        %parallel_loop3A_468 = arith.addf %parallel_loop3A_460, %parallel_loop3A_464 : vector<16xf32>
        %parallel_loop3A_469 = arith.addf %parallel_loop3A_461, %parallel_loop3A_465 : vector<16xf32>
        %parallel_loop3A_470 = arith.addf %parallel_loop3A_462, %parallel_loop3A_466 : vector<16xf32>
        %parallel_loop3A_471 = arith.addf %parallel_loop3A_463, %parallel_loop3A_467 : vector<16xf32>
        %parallel_loop3A_472 = arith.addf %parallel_loop3A_468, %parallel_loop3A_470 : vector<16xf32>
        %parallel_loop3A_473 = arith.addf %parallel_loop3A_469, %parallel_loop3A_471 : vector<16xf32>
        %parallel_loop3A_474 = arith.addf %parallel_loop3A_472, %parallel_loop3A_473 : vector<16xf32>
        %parallel_loop3A_475 = arith.addf %parallel_loop3A_474, %get3A_318 : vector<16xf32>
        %parallel_loop3A_476 = arith.constant 0.000000e+00 : f32
        %parallel_loop3A_477 = vector.broadcast %parallel_loop3A_476 : f32 to vector<16xf32>
        %parallel_loop3A_478 = arith.subf %parallel_loop3A_477, %parallel_loop3A_475 : vector<16xf32>
        %parallel_loop3A_479 = math.exp %parallel_loop3A_478 : vector<16xf32>
        %parallel_loop3A_480 = arith.constant 1.000000e+00 : f32
        %parallel_loop3A_481 = vector.broadcast %parallel_loop3A_480 : f32 to vector<16xf32>
        %parallel_loop3A_482 = arith.addf %parallel_loop3A_481, %parallel_loop3A_479 : vector<16xf32>
        %parallel_loop3A_483 = arith.constant 1.000000e+00 : f32
        %parallel_loop3A_484 = vector.broadcast %parallel_loop3A_483 : f32 to vector<16xf32>
        %parallel_loop3A_485 = arith.divf %parallel_loop3A_484, %parallel_loop3A_482 : vector<16xf32>
        %parallel_loop3A_486 = arith.constant 32 : i32
        %parallel_loop3A_487 = arith.muli %scan3A_326, %parallel_loop3A_486 : i32
        %parallel_loop3A_488 = arith.constant 16 : i32
        %parallel_loop3A_489 = arith.muli %parallel_loop3A_363, %parallel_loop3A_488 : i32
        %parallel_loop3A_490 = arith.addi %parallel_loop3A_487, %parallel_loop3A_489 : i32
        %parallel_loop3A_491 = arith.index_cast %parallel_loop3A_490 : i32 to index
        %parallel_loop3A_492 = tpu.vector_load %arg14[%parallel_loop3A_491] {strides = array<i32>} : memref<512xf32, #tpu.memory_space<vmem>>, vector<16xf32>,
        tpu.vector_store %arg14[%parallel_loop3A_491], %parallel_loop3A_485 {strides = array<i32>} : memref<512xf32, #tpu.memory_space<vmem>>, vector<16xf32>,
      } {sc.loop_unroll_factor = 2 : i64, sc.parallel_access}
    }
    %scan3A_325 = arith.constant 16 : i32
    "tpu.region"() ({
      %run_scoped3A = tpu.sem_alloc : memref<!tpu.dma_semaphore, #tpu.memory_space<semaphore_mem>>
      %dma_start3A_326 = tpu.memref_slice %arg8[%mul3A_2] : memref<16384xf32, #tpu.memory_space<hbm>> -> memref<512xf32, #tpu.memory_space<hbm>>
      %dma_start3A_327 = tpu.memref_slice %arg8[%mul3A_2] : memref<16384xf32, #tpu.memory_space<hbm>> -> memref<512xf32, #tpu.memory_space<hbm>>
      tpu.enqueue_dma source(%arg14 : memref<512xf32, #tpu.memory_space<vmem>>) target(%dma_start3A_327 : memref<512xf32, #tpu.memory_space<hbm>>) target_semaphore(%run_scoped3A : memref<!tpu.dma_semaphore, #tpu.memory_space<semaphore_mem>>)
      %dma_wait3A_328 = tpu.memref_slice %arg8[%mul3A_2] : memref<16384xf32, #tpu.memory_space<hbm>> -> memref<512xf32, #tpu.memory_space<hbm>>
      %dma_wait3A_329 = tpu.memref_slice %arg8[%mul3A_2] : memref<16384xf32, #tpu.memory_space<hbm>> -> memref<512xf32, #tpu.memory_space<hbm>>
      tpu.wait_dma2 semaphore(%run_scoped3A : memref<!tpu.dma_semaphore, #tpu.memory_space<semaphore_mem>>) src(%arg14 : memref<512xf32, #tpu.memory_space<vmem>>) dst(%dma_wait3A_329 : memref<512xf32, #tpu.memory_space<hbm>>)
      tpu.yield
    }) : () -> ()
    return
  }
}

</mosaic_0001>

<sc_bundles>
// kernel: kernel.3.cloned.1.call-start
scs
__scs_entry_jumppad:
0x0: {  	(pc) =	sbr.rel $0x88, $3  }
0x1: {  	(tag) =	ssettag $0x0;
	lr =	simm.s32 $0x1  }
0x2: {  	[smem:$0x3F9B] =	sst lr;
	_ =	strace $0xD0000000  }
0x3: {  	_ = 	snop  }
0x4: {  	_ = 	snop  }
0x5: {  	_ = 	snop  }
0x6: {  	_ = 	snop  }
0x7: {  	_ = 	snop  }
__scs_overlays_trampoline_lowered:
0x8: {  	[smem:$0x3FAA] =	sst s0  }
0x9: {  	[smem:$0x3FAB] =	sst s1  }
0xa: {  	[smem:$0x3FAC] =	sst s2  }
0xb: {  	[smem:$0x3FAD] =	sst s3  }
0xc: {  	[smem:$0x3FAE] =	sst s4  }
0xd: {  	[smem:$0x3FAF] =	sst s5  }
0xe: {  	[smem:$0x3FB0] =	sst s6  }
0xf: {  	[smem:$0x3FB1] =	sst s7  }
0x10: {  	[smem:$0x3FB2] =	sst s8  }
0x11: {  	[smem:$0x3FB3] =	sst s9;
	s0 =	simm.s32 @!p0 $0x0  }
0x12: {  	s1 =	sld [smem:$0x3F99];
	s0 =	simm.s32 @p0 $0x1  }
0x13: {  	[smem:$0x3FB4] =	sst s0;
	s0 =	simm.s32 @!p1 $0x0  }
0x14: {  	s2 =	sld [smem:$0x3F98];
	s0 =	simm.s32 @p1 $0x1  }
0x15: {  	[smem:$0x3FB5] =	sst s0;
	s0 =	simm.s32 @!p2 $0x0  }
0x16: {  	s3 =	sld [smem:$0x3FDB];
	s0 =	simm.s32 @p2 $0x1  }
0x17: {  	s4 =	simm.s32 $0x1BF5;
	[smem:$0x3FB7] =	sst s0  }
0x18: {  	s0 =	sld [smem:$0x3F9A];
	_ =	swait.ge [sflag:s4], $0x0  }
0x19: {  	s7 =	sld [smem:$0x3F9B]  }
0x1a: {  	s8 =	sadd.s32 $0xFFFFE003, lr  }
0x1b: {  	s9 =	sadd.s32 $0xFFFFFEF7, lr;
	s5 =	simm.s32 $0xFFFFFFFF;
	p2 =	slt.u32 s8, $0xFFFFF086  }
0x1c: {  	p1 =	slt.u32 s9, $0xF7A;
	s5 =	simm.s32 @!p2 $0x0  }
0x1d: {  	s5 =	simm.s32 @p1 $0x1;
	p0 =	seq.s32 s7, s2  }
0x1e: {  	s7 =	smul.u32 @!p0 $0xF7A, s2;
	p2 =	seq.s32 @!p0 s5, $0x0  }
0x1f: {  	s9 =	smul.u32 $0xF7A, s1;
	s8 =	simm.s32 @!p0 $0x1BF5;
	p2 =	por !p2, p0  }
0x20: {  	[sflag:s8] =	ssyncset.s32 @!p0 $0xFFFFF086;
	s6 =	sadd.s32 @!p0 s3, s7;
	s7 =	simm.s32 @!p0 $0x108  }
0x21: {  	s3 =	sadd.s32 s3, s9;
	s6 =	sadd.s32 @!p0 $0x88, s6;
	s7 =	simm.s32 @p2 $0x1082  }
0x22: {  	[simem:s7], [sflag:s8] =	dma.local @!p0 [hbm:s6], $0xF7A  }
0x23: {  	s9 =	sor.u32 $0xD0000000, s2;
	s6 =	simm.s32 $0x108;
	_ =	swait.ge @!p0 [sflag:s8], $0x0  }
0x24: {  	s3 =	sadd.s32 $0x88, s3;
	s6 =	simm.s32 @!p1 $0x1082;
	[sflag:s4] =	ssyncset.s32 $0xFFFFF086  }
0x25: {  	[simem:s6], [sflag:s4] =	dma.local [hbm:s3], $0xF7A  }
0x26: {  	[smem:$0x3F9B] =	sst s1;
	(tag) =	ssettag s2;
	_ =	strace s9  }
0x27: {  	s1 =	sld [smem:$0x3FAB]  }
0x28: {  	s2 =	sld [smem:$0x3FAC]  }
0x29: {  	s4 =	sld [smem:$0x3FAE]  }
0x2a: {  	p0 =	seq.s32 s5, $0x0;
	s5 =	sld [smem:$0x3FAF]  }
0x2b: {  	s6 =	sld [smem:$0x3FB0]  }
0x2c: {  	s7 =	sld [smem:$0x3FB1]  }
0x2d: {  	s3 =	simm.s32 $0x108;
	s8 =	sld [smem:$0x3FB2]  }
0x2e: {  	s3 =	simm.s32 @!p0 $0x1082;
	s9 =	sld [smem:$0x3FB3]  }
0x2f: {  	lr =	sadd.s32 s0, s3;
	s0 =	sld [smem:$0x3FAA]  }
0x30: {  	s3 =	sld [smem:$0x3FAD]  }
0x31: {  	[smem:$0x3FB6] =	sst s10  }
0x32: {  	s10 =	sld [smem:$0x3FB4];
	_ =	sdelay $0x3  }
0x33: {  	p0 =	seq.s32 s10, $0x1;
	s10 =	sld [smem:$0x3FB6];
	_ =	sdelay $0x3  }
0x34: {  	[smem:$0x3FB6] =	sst s10  }
0x35: {  	s10 =	sld [smem:$0x3FB5];
	_ =	sdelay $0x3  }
0x36: {  	p1 =	seq.s32 s10, $0x1;
	s10 =	sld [smem:$0x3FB6];
	_ =	sdelay $0x3  }
0x37: {  	[smem:$0x3FB6] =	sst s10  }
0x38: {  	s10 =	sld [smem:$0x3FB7]  }
0x39: {  	_ = 	snop;
	(pc) =	sbr.ind lr, $3  }
0x3a: {  	_ = 	snop  }
0x3b: {  	_ = 	snop  }
0x3c: {  	p2 =	seq.s32 s10, $0x1;
	s10 =	sld [smem:$0x3FB6]  }
0x3d: {  	_ =	shalt  }
0x3e: {  	_ =	shalt  }
0x3f: {  	_ =	shalt  }
0x40: {  	_ =	shalt  }
0x41: {  	_ =	shalt  }
0x42: {  	_ =	shalt  }
0x43: {  	_ =	shalt  }
0x44: {  	_ =	shalt  }
0x45: {  	_ =	shalt  }
0x46: {  	_ =	shalt  }
0x47: {  	_ =	shalt  }
0x48: {  	_ =	shalt  }
0x49: {  	_ =	shalt  }
0x4a: {  	_ =	shalt  }
0x4b: {  	_ =	shalt  }
0x4c: {  	_ =	shalt  }
0x4d: {  	_ =	shalt  }
0x4e: {  	_ =	shalt  }
0x4f: {  	_ =	shalt  }
0x50: {  	_ =	shalt  }
0x51: {  	_ =	shalt  }
0x52: {  	_ =	shalt  }
0x53: {  	_ =	shalt  }
0x54: {  	_ =	shalt  }
0x55: {  	_ =	shalt  }
0x56: {  	_ =	shalt  }
0x57: {  	_ =	shalt  }
0x58: {  	_ =	shalt  }
0x59: {  	_ =	shalt  }
0x5a: {  	_ =	shalt  }
0x5b: {  	_ =	shalt  }
0x5c: {  	_ =	shalt  }
0x5d: {  	_ =	shalt  }
0x5e: {  	_ =	shalt  }
0x5f: {  	_ =	shalt  }
0x60: {  	_ =	shalt  }
0x61: {  	_ =	shalt  }
0x62: {  	_ =	shalt  }
0x63: {  	_ =	shalt  }
0x64: {  	_ =	shalt  }
0x65: {  	_ =	shalt  }
0x66: {  	_ =	shalt  }
0x67: {  	_ =	shalt  }
0x68: {  	_ =	shalt  }
0x69: {  	_ =	shalt  }
0x6a: {  	_ =	shalt  }
0x6b: {  	_ =	shalt  }
0x6c: {  	_ =	shalt  }
0x6d: {  	_ =	shalt  }
0x6e: {  	_ =	shalt  }
0x6f: {  	_ =	shalt  }
0x70: {  	_ =	shalt  }
0x71: {  	_ =	shalt  }
0x72: {  	_ =	shalt  }
0x73: {  	_ =	shalt  }
0x74: {  	_ =	shalt  }
0x75: {  	_ =	shalt  }
0x76: {  	_ =	shalt  }
0x77: {  	_ =	shalt  }
0x78: {  	_ =	shalt  }
0x79: {  	_ =	shalt  }
0x7a: {  	_ =	shalt  }
0x7b: {  	_ =	shalt  }
0x7c: {  	_ =	shalt  }
0x7d: {  	_ =	shalt  }
0x7e: {  	_ =	shalt  }
0x7f: {  	_ =	shalt  }
0x80: {  	_ =	shalt  }
0x81: {  	_ =	shalt  }
0x82: {  	_ =	shalt  }
0x83: {  	_ =	shalt  }
0x84: {  	_ =	shalt  }
0x85: {  	_ =	shalt  }
0x86: {  	_ =	shalt  }
0x87: {  	_ =	shalt  }
.Lfunc_end0:
.L_simem_size_0:
called_computation_lowered:
.L_overlay_start_0:
0x88: {  	s2 =	sld [smem:$0x3FD9]  }
0x89: {  	s3 =	sld [smem:$0x3FFE];
	_ =	sdelay $0x1  }
0x8a: {  	s1 =	srdreg.scid  }
0x8b: {  	s0 =	sand.u32 $0x1, s1  }
0x8c: {  	s17 =	sshll.u32 s0, $0xA;
	s2 =	sadd.s32 s3, s2  }
0x8d: {  	s2 =	sadd.s32 s2, s17  }
0x8e: {  	[smem:$0x3FC2] =	sst s2  }
0x8f: {  	_ = 	snop  }
0x90: {  	s2 =	sld [smem:$0x3FC9]  }
0x91: {  	s18 =	sld [smem:$0x3FC8]  }
0x92: {  	s4 =	sld [smem:$0x3FC7]  }
0x93: {  	s5 =	sld [smem:$0x3FC6]  }
0x94: {  	s6 =	sld [smem:$0x3FC5]  }
0x95: {  	s7 =	sld [smem:$0x3FD0];
	(tm) =	ssettm $0x1  }
0x96: {  	s8 =	sld [smem:$0x3FFB];
	_ =	sdelay $0x3  }
0x97: {  	_ =	strace s8  }
0x98: {  	s8 =	sld [smem:$0x3FFC];
	_ =	sdelay $0x3  }
0x99: {  	_ =	strace s8  }
0x9a: {  	s8 =	sld [smem:$0x3FFD];
	_ =	sdelay $0x3  }
0x9b: {  	_ =	strace s8  }
0x9c: {  	_ =	strace $0x8FFFFFFF  }
0x9d: {  	s19 =	sld [smem:$0x3FDB];
	_ =	sdelay $0x1  }
0x9e: {  	s9 =	simm.s32 $_scs_section_size  }
0x9f: {  	s10 =	simm.s32 $_size__tile_overlayer_lowered;
	s11 =	simm.s32 $_tile_overlayer_lowered  }
0xa0: {  	s22 =	simm.s32 $0x1BFF;
	s21 =	sshll.u32 s11, $0x1;
	s8 =	sadd.s32 s9, s19  }
0xa1: {  	s12 =	simm.s32 $0x0;
	s20 =	sshll.u32 s10, $0x1;
	s10 =	sadd.s32 s21, s8  }
0xa2: {  	[timem:s12], [sflag:s22] =	dma.local [hbm:s10], s20  }
0xa3: {  	_ =	swait.ge [sflag:s22], s20  }
0xa4: {  	s9 =	ssub.s32 $0x0, s20;
	[sflag:s22] =	ssyncset.done $0x0  }
0xa5: {  	[sflag:s22] =	ssyncadd.s32 s9;
	_ =	sdelay $0x1  }
0xa6: {  	s23 =	simm.s32 $0x1B8B  }
0xa7: {  	_ =	swait.ge [sflag:s23], $0x1  }
0xa8: {  	[sflag:s23] =	ssyncset.done $0x0  }
0xa9: {  	s25 =	simm.s32 $0x1B8E;
	s24 =	sld [smem:$0x3FFE];
	[sflag:s23] =	ssyncadd.s32 $0xFFFFFFFF  }
0xaa: {  	s26 =	simm.s32 $execute0_lowered;
	[smem:$0x3FD2] =	sst s25  }
0xab: {  	s10 =	sshll.u32 s26, $0x1;
	_ =	strace $0x80000046;
	[dreg:$0x1] =	wrdreg $0xFFFFFFFF  }
0xac: {  	s28 =	simm.s32 $_size_execute0_lowered;
	s8 =	sadd.s32 s8, s10;
	[dreg:$0x0] =	wrdreg $0x0  }
0xad: {  	s10 =	sshll.u32 s28, $0x1;
	[dreg:$0x2] =	wrdreg s8  }
0xae: {  	[dreg:$0x3] =	wrdreg s10  }
0xaf: {  	[dreg:$0x4] =	wrdreg $0xC0  }
0xb0: {  	_ =	task [dreg:s12], $0x5FFFF  }
0xb1: {  	[dreg:$0x1] =	wrdreg $0xFFFFFFFF  }
0xb2: {  	[dreg:$0x0] =	wrdreg $0x60  }
0xb3: {  	[dreg:$0x2] =	wrdreg s2  }
0xb4: {  	[dreg:$0x3] =	wrdreg s18  }
0xb5: {  	[dreg:$0x4] =	wrdreg s4  }
0xb6: {  	[dreg:$0x5] =	wrdreg s5  }
0xb7: {  	[dreg:$0x6] =	wrdreg s6  }
0xb8: {  	[dreg:$0x7] =	wrdreg s24  }
0xb9: {  	[dreg:$0x8] =	wrdreg s7  }
0xba: {  	[dreg:$0x9] =	wrdreg $0x9  }
0xbb: {  	_ =	task.clear_ibuf [dreg:s12], $0xAFFFF;
	_ =	strace $0x90000046  }
0xbc: {  	s29 =	simm.s32 $0x9;
	_ =	strace $0x80000048  }
0xbd: {  	_ =	swait.ge [sflag:s29], $0x1  }
0xbe: {  	[sflag:s29] =	ssyncadd.s32 $0xFFFFFFFF  }
0xbf: {  	_ =	strace $0x90000048  }
0xc0: {  	_ =	sfence  }
0xc1: {  	s30 =	sld [smem:$0x0];
	_ =	sdelay $0x2  }
0xc2: {  	s31 =	sshll.u32 s1, $0xD;
	s1 =	sshrl.u32 s1, $0x2  }
0xc3: {  	s3 =	sand.u32 $0x4000, s31;
	s1 =	sadd.s32 s1, s30  }
0xc4: {  	s0 =	sor.u32 s3, s0;
	s1 =	sshll.u32 s1, $0x11  }
0xc5: {  	s0 =	sor.u32 s1, s0  }
0xc6: {  	s0 =	sadd.s32 $0x8F2B, s0  }
0xc7: {  	[sflag:s0] =	ssyncadd.remote.s32 $0x1  }
0xc8: {  	_ =	sfence.sel $0xFFFF  }
0xc9: {  	[dreg:$0x0] =	wrdreg $0xFFFFFFFF;
	(pc) =	sbr.abs _section_cstart, $3  }
0xca: {  	[dreg:$0x1] =	wrdreg $0xFFFFFFFF  }
0xcb: {  	_ =	task.clear_ibuf [dreg:s12], $0x2FFFF;
	_ =	strace $0x9FFFFFFF  }
0xcc: {  	(tm) =	ssettm $0x7FFFFFFF  }
0xcd: {  	_ =	shalt  }
tec
execute0_lowered:
.L_overlay_start_1:
0x0: {  	(tag) =	ssettag $0x1  }
0x1: {  	s0 =	rddreg [dreg:$0x0]  }
0x2: {  	s3 =	rddreg [dreg:$0x1]  }
0x3: {  	s1 =	rddreg [dreg:$0x2]  }
0x4: {  	s2 =	rddreg [dreg:$0x3]  }
0x5: {  	s4 =	rddreg [dreg:$0x5]  }
0x6: {  	s11 =	rddreg [dreg:$0x6];
	s5 =	simm.s32 $0x0;
	s6 =	srdreg.scid  }
0x7: {  	s8 =	stileid.u32;
	s15 =	simm.s32 $0x200;
	s16 =	simm.s32 $0x13  }
0x8: {  	s17 =	simm.s32 $0x14;
	s18 =	simm.s32 $0x20;
	s19 =	simm.s32 $0x220  }
0x9: {  	s28 =	simm.s32 $0xE400;
	s29 =	simm.s32 $0x11;
	s30 =	simm.s32 $0x12  }
0xa: {  	s31 =	simm.s32 $0x10400;
	[smem:$0x7FF] =	sst s5;
	s6 =	sand.u32 $0x1, s6  }
0xb: {  	s8 =	sshll.u32 s8, $0x7;
	s7 =	ssub.s32 $0x2, s6;
	s9 =	sshll.u32 s6, $0x6  }
0xc: {  	_ =	strace $0x80000047;
	s26 =	sshrl.u32 s7, $0x1;
	s12 =	sor.u32 s9, s8  }
0xd: {  	s6 =	sadd.s32 $0x400, s4;
	s4 =	ssub.s32 s7, s26;
	s7 =	sadd.s32 s0, s12  }
0xe: {  	s10 =	sor.u32 $0x4, s12;
	s8 =	sadd.s32 s3, s12;
	s11 =	sadd.s32 s11, s12  }
0xf: {  	v0 =	vlaneseq.u32;
	s9 =	sadd.s32 s0, s10;
	s10 =	sadd.s32 s3, s10;
	s12 =	smax.u32 s4, $0x1  }
0x10: {  	v0 =	vmul.u32 $0x80, v0;
	s0 =	simm.s32 $0x10C00;
	s4 =	simm.s32 $0x15;
	s3 =	simm.s32 $0x0  }
.LBB2_1:
0x11: {  	s13 =	rddreg [dreg:$0x4];
	s14 =	simm.s32 $0x10E00  }
0x12: {  	[tilespmem:s14], [sflag:$0x11] =	stream.linear.gather [hbm4b:s13+s5], $0x80, $0x38;
	[tilespmem:$0x10F00] =	vst v63  }
0x13: {  	s26 =	simm.s32 $0x10E80  }
0x14: {  	[tilespmem:s26], [sflag:$0x12] =	stream.linear.gather [hbm4b:s6+s5], $0x80, $0x38;
	[tilespmem:$0x10F00] =	vst v63  }
0x15: {  	_ = 	snop  }
0x16: {  	[tilespmem:s5], [sflag:$0x13] =	stream.linear.gather [hbm4b:s7+s5], $0x20, $0x38;
	[tilespmem:$0x10F00] =	vst v63  }
0x17: {  	_ = 	snop  }
0x18: {  	[tilespmem:s15], [sflag:$0x14] =	stream.linear.gather [hbm4b:s8+s5], $0x20, $0x38;
	[tilespmem:$0x10F00] =	vst v63  }
0x19: {  	_ =	swait.ge [sflag:s16], $0x20  }
0x1a: {  	[sflag:s16] =	ssyncset.done $0x0  }
0x1b: {  	[sflag:s16] =	ssyncadd.s32 $0xFFFFFFE0  }
0x1c: {  	_ =	swait.ge [sflag:s17], $0x20  }
0x1d: {  	[sflag:s17] =	ssyncset.done $0x0  }
0x1e: {  	[sflag:s17] =	ssyncadd.s32 $0xFFFFFFE0  }
0x1f: {  	[tilespmem:s18], [sflag:$0x13] =	stream.linear.gather [hbm4b:s9+s5], $0x1E0, $0x38;
	[tilespmem:$0x10F00] =	vst v63  }
0x20: {  	_ = 	snop  }
0x21: {  	[tilespmem:s19], [sflag:$0x14] =	stream.linear.gather [hbm4b:s10+s5], $0x1E0, $0x38;
	[tilespmem:$0x10F00] =	vst v63  }
0x22: {  	s14 =	simm.s32 $0x400  }
0x23: {  	[tilespmem:s14], [sflag:$0x1] =	stream.indirect.gather [hbm4b:s1+s18], $0x80, s5, s18, $0xb8;
	[tilespmem:$0x10F00] =	vst v63  }
0x24: {  	s20 =	simm.s32 $0x8400  }
0x25: {  	[tilespmem:s20], [sflag:$0x9] =	stream.indirect.gather [hbm4b:s2+s18], $0x80, s15, s18, $0xb8;
	[tilespmem:$0x10F00] =	vst v63  }
0x26: {  	_ =	swait.ge [sflag:s16], $0x1E0  }
0x27: {  	[sflag:s16] =	ssyncset.done $0x0  }
0x28: {  	[sflag:s16] =	ssyncadd.s32 $0xFFFFFE20  }
0x29: {  	_ =	swait.ge [sflag:s17], $0x1E0  }
0x2a: {  	[sflag:s17] =	ssyncset.done $0x0  }
0x2b: {  	s21 =	simm.s32 $0x1400;
	[sflag:s17] =	ssyncadd.s32 $0xFFFFFE20  }
0x2c: {  	[tilespmem:s21], [sflag:$0x2] =	stream.indirect.gather [hbm4b:s1+s18], $0x80, s18, s18, $0xb8;
	[tilespmem:$0x10F00] =	vst v63  }
0x2d: {  	s22 =	simm.s32 $0x9400  }
0x2e: {  	[tilespmem:s22], [sflag:$0xA] =	stream.indirect.gather [hbm4b:s2+s18], $0x80, s19, s18, $0xb8;
	[tilespmem:$0x10F00] =	vst v63  }
0x2f: {  	s23 =	simm.s32 $0x40;
	s24 =	simm.s32 $0x2400  }
0x30: {  	[tilespmem:s24], [sflag:$0x3] =	stream.indirect.gather [hbm4b:s1+s18], $0x80, s23, s18, $0xb8;
	[tilespmem:$0x10F00] =	vst v63  }
0x31: {  	s25 =	simm.s32 $0x240;
	s26 =	simm.s32 $0xA400  }
0x32: {  	[tilespmem:s26], [sflag:$0xB] =	stream.indirect.gather [hbm4b:s2+s18], $0x80, s25, s18, $0xb8;
	[tilespmem:$0x10F00] =	vst v63  }
0x33: {  	s14 =	simm.s32 $0x60;
	s20 =	simm.s32 $0x3400  }
0x34: {  	[tilespmem:s20], [sflag:$0x4] =	stream.indirect.gather [hbm4b:s1+s18], $0x80, s14, s18, $0xb8;
	[tilespmem:$0x10F00] =	vst v63  }
0x35: {  	s21 =	simm.s32 $0x260;
	s22 =	simm.s32 $0xB400  }
0x36: {  	[tilespmem:s22], [sflag:$0xC] =	stream.indirect.gather [hbm4b:s2+s18], $0x80, s21, s18, $0xb8;
	[tilespmem:$0x10F00] =	vst v63  }
0x37: {  	s23 =	simm.s32 $0x80;
	s24 =	simm.s32 $0x4400  }
0x38: {  	[tilespmem:s24], [sflag:$0x5] =	stream.indirect.gather [hbm4b:s1+s18], $0x80, s23, s18, $0xb8;
	[tilespmem:$0x10F00] =	vst v63  }
0x39: {  	s25 =	simm.s32 $0x280;
	s26 =	simm.s32 $0xC400  }
0x3a: {  	[tilespmem:s26], [sflag:$0xD] =	stream.indirect.gather [hbm4b:s2+s18], $0x80, s25, s18, $0xb8;
	[tilespmem:$0x10F00] =	vst v63  }
0x3b: {  	s20 =	simm.s32 $0xA0;
	s21 =	simm.s32 $0x5400  }
0x3c: {  	[tilespmem:s21], [sflag:$0x6] =	stream.indirect.gather [hbm4b:s1+s18], $0x80, s20, s18, $0xb8;
	[tilespmem:$0x10F00] =	vst v63  }
0x3d: {  	s22 =	simm.s32 $0x2A0;
	s23 =	simm.s32 $0xD400  }
0x3e: {  	[tilespmem:s23], [sflag:$0xE] =	stream.indirect.gather [hbm4b:s2+s18], $0x80, s22, s18, $0xb8;
	[tilespmem:$0x10F00] =	vst v63  }
0x3f: {  	s24 =	simm.s32 $0xC0;
	s25 =	simm.s32 $0x6400  }
0x40: {  	[tilespmem:s25], [sflag:$0x7] =	stream.indirect.gather [hbm4b:s1+s18], $0x80, s24, s18, $0xb8;
	[tilespmem:$0x10F00] =	vst v63  }
0x41: {  	s26 =	simm.s32 $0x2C0  }
0x42: {  	[tilespmem:s28], [sflag:$0xF] =	stream.indirect.gather [hbm4b:s2+s18], $0x80, s26, s18, $0xb8;
	[tilespmem:$0x10F00] =	vst v63  }
0x43: {  	_ =	swait.ge [sflag:s29], $0x80  }
0x44: {  	[sflag:s29] =	ssyncset.done $0x0  }
0x45: {  	[sflag:s29] =	ssyncadd.s32 $0xFFFFFF80  }
0x46: {  	_ =	swait.ge [sflag:s30], $0x80  }
0x47: {  	[sflag:s30] =	ssyncset.done $0x0  }
0x48: {  	[sflag:s30] =	ssyncadd.s32 $0xFFFFFF80  }
0x49: {  	v1 =	vld [tilespmem:$0x10E00]  }
0x4a: {  	v2 =	vld [tilespmem:$0x10E10]  }
0x4b: {  	v3 =	vld [tilespmem:$0x10E20]  }
0x4c: {  	v4 =	vld [tilespmem:$0x10E30]  }
0x4d: {  	v5 =	vld [tilespmem:$0x10E40]  }
0x4e: {  	v6 =	vld [tilespmem:$0x10E50]  }
0x4f: {  	v7 =	vld [tilespmem:$0x10E60]  }
0x50: {  	v8 =	vld [tilespmem:$0x10E70]  }
0x51: {  	s13 =	simm.s32 $0x0;
	s14 =	simm.s32 $0x0;
	v9 =	vld [tilespmem:$0x10E80]  }
.LBB2_2:
0x52: {  	p0 =	sgt.u32 s14, $0x8  }
0x53: {  	s20 =	sadd.s32 @!p0 $0x7, s14  }
0x54: {  	s21 =	sand.u32 @!p0 $0x7, s20  }
0x55: {  	s22 =	sand.u32 $0x7, s14;
	s26 =	simm.s32 @!p0 $0x20;
	s23 =	sshll.u32 @!p0 s21, $0xC  }
0x56: {  	s20 =	sshll.u32 @!p0 s20, $0x5;
	s25 =	sadd.s32 @!p0 $0x1, s21;
	s24 =	sor.u32 @!p0 $0x400, s23  }
0x57: {  	[tilespmem:s24], [sflag:s25] =	stream.indirect.gather @!p0 [hbm4b:s1+s26], $0x80, s20, s26, $0xb8;
	[tilespmem:$0x10F00] =	vst v63  }
0x58: {  	s21 =	sadd.s32 @!p0 $0x9, s21;
	s23 =	sor.u32 @!p0 $0x8400, s23;
	s20 =	sadd.s32 @!p0 $0x200, s20  }
0x59: {  	[tilespmem:s23], [sflag:s21] =	stream.indirect.gather @!p0 [hbm4b:s2+s26], $0x80, s20, s26, $0xb8;
	[tilespmem:$0x10F00] =	vst v63  }
0x5a: {  	s23 =	sadd.s32 $0x1, s22  }
0x5b: {  	_ =	swait.ge [sflag:s23], $0x1000  }
0x5c: {  	[sflag:s23] =	ssyncset.done $0x0  }
0x5d: {  	s24 =	sadd.s32 $0x9, s22;
	[sflag:s23] =	ssyncadd.s32 $0xFFFFF000  }
0x5e: {  	s25 =	sshll.u32 s13, $0xC;
	_ =	swait.ge [sflag:s24], $0x1000  }
0x5f: {  	s26 =	sand.u32 $0x7000, s25;
	[sflag:s24] =	ssyncset.done $0x0  }
0x60: {  	s20 =	sor.u32 $0x500, s26;
	[sflag:s24] =	ssyncadd.s32 $0xFFFFF000  }
0x61: {  	s22 =	sor.u32 $0x8500, s26;
	v24 =	vld [tilespmem:s20+$0x80]  }
0x62: {  	v25 =	vld [tilespmem:s22+$0x80]  }
0x63: {  	v26 =	vld [tilespmem:s20+$0x90]  }
0x64: {  	v27 =	vld [tilespmem:s22+$0x90]  }
0x65: {  	v14 =	vld [tilespmem:s20+$0xA0]  }
0x66: {  	v15 =	vld [tilespmem:s22+$0xA0]  }
0x67: {  	v16 =	vld [tilespmem:s20+$0xB0]  }
0x68: {  	v17 =	vld [tilespmem:s22+$0xB0]  }
0x69: {  	v18 =	vld [tilespmem:s20+$0xC0]  }
0x6a: {  	v19 =	vld [tilespmem:s22+$0xC0]  }
0x6b: {  	v20 =	vld [tilespmem:s20+$0xD0]  }
0x6c: {  	v21 =	vld [tilespmem:s22+$0xD0]  }
0x6d: {  	v12 =	vld [tilespmem:s20+$0xE0]  }
0x6e: {  	v13 =	vld [tilespmem:s22+$0xE0]  }
0x6f: {  	v22 =	vld [tilespmem:s20+$0xF0]  }
0x70: {  	v23 =	vld [tilespmem:s22+$0xF0]  }
0x71: {  	v10 =	vld [tilespmem:s22+$0xFFFFFF00]  }
0x72: {  	s21 =	simm.s32 $0x0;
	s23 =	simm.s32 $0x4;
	v11 =	vld [tilespmem:s20+$0xFFFFFF10];
	v24 =	vmul.f32 v25, v24;
	v25 =	vmul.f32 v27, v26  }
.LBB2_3:
0x73: {  	p0 =	slt.u32 s23, $0x1C;
	v26 =	vld [tilespmem:s22+$0xFFFFFF10];
	v14 =	vmul.f32 v15, v14;
	v15 =	vmul.f32 v17, v16  }
0x74: {  	v17 =	vmul.f32 v19, v18;
	v18 =	vmul.f32 v21, v20;
	v16 =	vld [tilespmem:s20+$0xFFFFFF20]  }
0x75: {  	v12 =	vmul.f32 v13, v12;
	v19 =	vld [tilespmem:s22+$0xFFFFFF20];
	v13 =	vmul.f32 v23, v22  }
0x76: {  	v21 =	vmul.f32 v24, v1;
	v22 =	vmul.f32 v25, v2;
	v20 =	vld [tilespmem:s20+$0xFFFFFF30]  }
0x77: {  	s24 =	sadd.s32 $0x3, s21;
	v14 =	vmul.f32 v14, v3;
	v15 =	vmul.f32 v15, v4;
	v23 =	vld [tilespmem:s22+$0xFFFFFF30]  }
0x78: {  	v17 =	vmul.f32 v17, v5;
	v18 =	vmul.f32 v18, v6;
	v25 =	vmov s24;
	v24 =	vld [tilespmem:s20+$0xFFFFFF40]  }
0x79: {  	v12 =	vmul.f32 v12, v7;
	v25 =	vand.u32 $0x7F, v25;
	v13 =	vmul.f32 v13, v8;
	v27 =	vld [tilespmem:s22+$0xFFFFFF40]  }
0x7a: {  	v21 =	vadd.f32 v22, v21;
	v14 =	vadd.f32 v15, v14;
	v15 =	vbroadcast v25, $0x0;
	v28 =	vld [tilespmem:s20+$0xFFFFFF50]  }
0x7b: {  	v17 =	vadd.f32 v18, v17;
	v11 =	vmul.f32 v26, v11;
	v12 =	vadd.f32 v13, v12;
	v22 =	vld [tilespmem:s22+$0xFFFFFF50]  }
0x7c: {  	v15 =	vor.u32 v0, v15;
	v13 =	vmul.f32 v19, v16;
	v16 =	vmul.f32 v23, v20;
	v18 =	vld [tilespmem:s20+$0xFFFFFF60]  }
0x7d: {  	v14 =	vadd.f32 v14, v21;
	v11 =	vmul.f32 v11, v2;
	v12 =	vadd.f32 v12, v17;
	v19 =	vld [tilespmem:s22+$0xFFFFFF60]  }
0x7e: {  	v13 =	vmul.f32 v13, v3;
	v17 =	vmul.f32 v27, v24;
	v20 =	vld [tilespmem:s20+$0xFFFFFF70]  }
0x7f: {  	v14 =	vadd.f32 v12, v14;
	v16 =	vmul.f32 v16, v4;
	v21 =	vld [tilespmem:s22+$0xFFFFFF70]  }
0x80: {  	v17 =	vmul.f32 v17, v5;
	v22 =	vmul.f32 v22, v28;
	v23 =	vld [tilespmem:s20+$0xFFFFFF80]  }
0x81: {  	v12 =	vadd.f32 v16, v13;
	v13 =	vld [tilespmem:s22+$0xFFFFFF80];
	[tilespmem:v15+s31+$0x0] =	vst.idx.msk $0xffff, v14  }
0x82: {  	v14 =	vmul.f32 v22, v6;
	v15 =	vmul.f32 v19, v18;
	v16 =	vld [tilespmem:s20+$0xFFFFFF90]  }
0x83: {  	v18 =	vld [tilespmem:s22+$0xFFFFFF90]  }
0x84: {  	v15 =	vmul.f32 v15, v7;
	v19 =	vmul.f32 v21, v20;
	v14 =	vadd.f32 v14, v17;
	v17 =	vld [tilespmem:s20+$0xFFFFFFA0]  }
0x85: {  	v20 =	vld [tilespmem:s22+$0xFFFFFFA0]  }
0x86: {  	v19 =	vmul.f32 v19, v8;
	v13 =	vmul.f32 v13, v23;
	v21 =	vld [tilespmem:s20+$0xFFFFFFB0]  }
0x87: {  	v22 =	vld [tilespmem:s22+$0xFFFFFFB0]  }
0x88: {  	v15 =	vadd.f32 v19, v15;
	v19 =	vmul.f32 v13, v1;
	v16 =	vmul.f32 v18, v16;
	v18 =	vld [tilespmem:s20+$0xFFFFFFC0]  }
0x89: {  	v23 =	vld [tilespmem:s22+$0xFFFFFFC0]  }
0x8a: {  	v13 =	vadd.f32 v15, v14;
	v14 =	vmul.f32 v16, v2;
	v15 =	vmul.f32 v20, v17;
	v16 =	vld [tilespmem:s20+$0xFFFFFFD0]  }
0x8b: {  	v17 =	vld [tilespmem:s22+$0xFFFFFFD0]  }
0x8c: {  	v15 =	vmul.f32 v15, v3;
	v20 =	vmul.f32 v22, v21;
	v21 =	vld [tilespmem:s20+$0xFFFFFFE0];
	v14 =	vadd.f32 v14, v19  }
0x8d: {  	v19 =	vld [tilespmem:s22+$0xFFFFFFE0]  }
0x8e: {  	v20 =	vmul.f32 v20, v4;
	v18 =	vmul.f32 v23, v18;
	v22 =	vld [tilespmem:s20+$0xFFFFFFF0]  }
0x8f: {  	v23 =	vld [tilespmem:s22+$0xFFFFFFF0]  }
0x90: {  	v18 =	vmul.f32 v18, v5;
	v16 =	vmul.f32 v17, v16;
	v15 =	vadd.f32 v20, v15;
	v17 =	vld [tilespmem:s20+$0x0]  }
0x91: {  	v20 =	vld [tilespmem:s22+$0x0]  }
0x92: {  	v16 =	vmul.f32 v16, v6;
	v19 =	vmul.f32 v19, v21;
	v14 =	vadd.f32 v15, v14;
	v15 =	vld [tilespmem:s20+$0x10]  }
0x93: {  	v21 =	vld [tilespmem:s22+$0x10]  }
0x94: {  	s24 =	sadd.s32 $0x1, s21;
	v19 =	vmul.f32 v19, v7;
	v22 =	vmul.f32 v23, v22;
	v16 =	vadd.f32 v16, v18;
	v18 =	vld [tilespmem:s20+$0x20]  }
0x95: {  	v23 =	vmov s24;
	v24 =	vld [tilespmem:s22+$0x20]  }
0x96: {  	v23 =	vand.u32 $0x7D, v23;
	v22 =	vmul.f32 v22, v8;
	v17 =	vmul.f32 v20, v17;
	v20 =	vld [tilespmem:s20+$0x30]  }
0x97: {  	v23 =	vbroadcast v23, $0x0;
	v25 =	vld [tilespmem:s22+$0x30]  }
0x98: {  	v19 =	vadd.f32 v22, v19;
	v17 =	vmul.f32 v17, v1;
	v15 =	vmul.f32 v21, v15;
	v21 =	vld [tilespmem:s20+$0x40]  }
0x99: {  	v22 =	vor.u32 v0, v23;
	v23 =	vld [tilespmem:s22+$0x40]  }
0x9a: {  	v16 =	vadd.f32 v19, v16;
	v15 =	vmul.f32 v15, v2;
	v18 =	vmul.f32 v24, v18;
	v19 =	vld [tilespmem:s20+$0x50]  }
0x9b: {  	v24 =	vld [tilespmem:s22+$0x50]  }
0x9c: {  	v18 =	vmul.f32 v18, v3;
	v20 =	vmul.f32 v25, v20;
	v25 =	vld [tilespmem:s20+$0x60];
	v15 =	vadd.f32 v15, v17  }
0x9d: {  	v14 =	vadd.f32 v16, v14;
	v16 =	vld [tilespmem:s22+$0x60]  }
0x9e: {  	v17 =	vmul.f32 v20, v4;
	v20 =	vmul.f32 v23, v21;
	v21 =	vld [tilespmem:s20+$0x70]  }
0x9f: {  	[tilespmem:v22+s31+$0x0] =	vst.idx.msk $0xffff, v14;
	v14 =	vld [tilespmem:s22+$0x70]  }
0xa0: {  	v22 =	vld [tilespmem:s20+$0xFFFFFF00];
	v20 =	vmul.f32 v20, v5;
	v19 =	vmul.f32 v24, v19;
	v17 =	vadd.f32 v17, v18;
	s20 =	sadd.s32 $0x200, s20  }
0xa1: {  	s22 =	sadd.s32 $0x200, s22;
	v24 =	vld [tilespmem:s20+$0x80]  }
0xa2: {  	v26 =	vld [tilespmem:s22+$0x80];
	v18 =	vmul.f32 v19, v6;
	v16 =	vmul.f32 v16, v25;
	v23 =	vadd.f32 v17, v15  }
0xa3: {  	v25 =	vld [tilespmem:s20+$0x90]  }
0xa4: {  	s24 =	sadd.s32 $0x2, s21;
	v27 =	vld [tilespmem:s22+$0x90];
	v19 =	vmul.f32 v16, v7;
	v16 =	vmul.f32 v14, v21;
	v20 =	vadd.f32 v18, v20  }
0xa5: {  	v17 =	vmov s24;
	v14 =	vld [tilespmem:s20+$0xA0];
	v10 =	vmul.f32 v10, v22  }
0xa6: {  	v17 =	vand.u32 $0x7E, v17;
	v18 =	vmov s21;
	s21 =	smov.u32 s23;
	v15 =	vld [tilespmem:s22+$0xA0];
	v21 =	vmul.f32 v16, v8  }
0xa7: {  	v18 =	vand.u32 $0x7C, v18;
	v22 =	vbroadcast v17, $0x0;
	v16 =	vld [tilespmem:s20+$0xB0];
	v10 =	vmul.f32 v10, v1  }
0xa8: {  	v28 =	vbroadcast v18, $0x0;
	v17 =	vld [tilespmem:s22+$0xB0];
	v21 =	vadd.f32 v21, v19  }
0xa9: {  	v18 =	vld [tilespmem:s20+$0xC0];
	v10 =	vadd.f32 v11, v10;
	v11 =	vor.u32 v0, v22  }
0xaa: {  	v28 =	vor.u32 v0, v28;
	v19 =	vld [tilespmem:s22+$0xC0];
	v22 =	vadd.f32 v21, v20  }
0xab: {  	v20 =	vld [tilespmem:s20+$0xD0];
	v10 =	vadd.f32 v12, v10  }
0xac: {  	v21 =	vld [tilespmem:s22+$0xD0];
	v22 =	vadd.f32 v22, v23  }
0xad: {  	v12 =	vld [tilespmem:s20+$0xE0];
	v10 =	vadd.f32 v13, v10  }
.Ltmp0:
0xae: {  	v13 =	vld [tilespmem:s22+$0xE0];
	[tilespmem:v11+s31+$0x0] =	vst.idx.msk $0xffff, v22;
	(pc) =	sbr.rel @p0 .LBB2_3-.Ltmp0, $4  }
0xaf: {  	v22 =	vld [tilespmem:s20+$0xF0];
	[tilespmem:v28+s31+$0x0] =	vst.idx.msk $0xffff, v10  }
0xb0: {  	v23 =	vld [tilespmem:s22+$0xF0]  }
0xb1: {  	v10 =	vld [tilespmem:s22+$0xFFFFFF00]  }
0xb2: {  	s23 =	sadd.s32 $0x4, s23;
	v24 =	vmul.f32 v26, v24;
	v25 =	vmul.f32 v27, v25;
	v11 =	vld [tilespmem:s20+$0xFFFFFF10]  }
0xb3: {  	v26 =	vld [tilespmem:s22+$0xFFFFFF10]  }
0xb4: {  	v27 =	vld [tilespmem:s20+$0xFFFFFF20]  }
0xb5: {  	v28 =	vld [tilespmem:s22+$0xFFFFFF20]  }
0xb6: {  	v29 =	vld [tilespmem:s20+$0xFFFFFF30]  }
0xb7: {  	v30 =	vld [tilespmem:s22+$0xFFFFFF30]  }
0xb8: {  	v31 =	vld [tilespmem:s20+$0xFFFFFF40]  }
0xb9: {  	v32 =	vld [tilespmem:s22+$0xFFFFFF40]  }
0xba: {  	v33 =	vld [tilespmem:s20+$0xFFFFFF50]  }
0xbb: {  	v34 =	vld [tilespmem:s22+$0xFFFFFF50]  }
0xbc: {  	v35 =	vld [tilespmem:s20+$0xFFFFFF60]  }
0xbd: {  	v36 =	vld [tilespmem:s22+$0xFFFFFF60]  }
0xbe: {  	v37 =	vld [tilespmem:s20+$0xFFFFFF70]  }
0xbf: {  	v38 =	vld [tilespmem:s22+$0xFFFFFF70]  }
0xc0: {  	v39 =	vld [tilespmem:s20+$0xFFFFFF80]  }
0xc1: {  	v40 =	vld [tilespmem:s22+$0xFFFFFF80]  }
0xc2: {  	v41 =	vld [tilespmem:s20+$0xFFFFFF90]  }
0xc3: {  	v42 =	vld [tilespmem:s22+$0xFFFFFF90]  }
0xc4: {  	v43 =	vld [tilespmem:s20+$0xFFFFFFA0];
	v14 =	vmul.f32 v15, v14  }
0xc5: {  	v44 =	vld [tilespmem:s22+$0xFFFFFFA0];
	v57 =	vmul.f32 v17, v16;
	v58 =	vmul.f32 v19, v18  }
0xc6: {  	v45 =	vld [tilespmem:s20+$0xFFFFFFB0];
	v59 =	vmul.f32 v21, v20;
	v12 =	vmul.f32 v13, v12  }
0xc7: {  	v16 =	vld [tilespmem:s22+$0xFFFFFFB0];
	v61 =	vmul.f32 v24, v1;
	v62 =	vmul.f32 v25, v2  }
0xc8: {  	v19 =	vld [tilespmem:s20+$0xFFFFFFC0];
	v60 =	vmul.f32 v23, v22;
	v14 =	vmul.f32 v14, v3  }
0xc9: {  	v20 =	vld [tilespmem:s22+$0xFFFFFFC0];
	v15 =	vmul.f32 v57, v4;
	v17 =	vmul.f32 v58, v5  }
0xca: {  	v46 =	vld [tilespmem:s22+$0xFFFFFFE0];
	v18 =	vmul.f32 v59, v6;
	v12 =	vmul.f32 v12, v7  }
0xcb: {  	v48 =	vld [tilespmem:s20+$0xFFFFFFF0];
	v13 =	vmul.f32 v60, v8;
	v63 =	vmul.f32 v28, v27  }
0xcc: {  	v50 =	vld [tilespmem:s22+$0xFFFFFFF0];
	v28 =	vmul.f32 v30, v29;
	v47 =	vmul.f32 v32, v31  }
0xcd: {  	v54 =	vld [tilespmem:s22+$0x0];
	v49 =	vmul.f32 v34, v33;
	v51 =	vmul.f32 v36, v35  }
0xce: {  	v24 =	vld [tilespmem:s22+$0xFFFFFFD0];
	v53 =	vmul.f32 v38, v37;
	v56 =	vmul.f32 v40, v39  }
0xcf: {  	v23 =	vld [tilespmem:s20+$0xFFFFFFD0];
	v21 =	vadd.f32 v62, v61;
	v58 =	vmul.f32 v42, v41;
	v61 =	vmul.f32 v44, v43  }
0xd0: {  	v59 =	vld [tilespmem:s22+$0x10];
	v16 =	vmul.f32 v16, v45;
	v19 =	vmul.f32 v20, v19  }
0xd1: {  	v62 =	vld [tilespmem:s20+$0x20];
	v14 =	vadd.f32 v15, v14;
	v11 =	vmul.f32 v26, v11;
	v15 =	vmul.f32 v63, v3  }
0xd2: {  	v27 =	vld [tilespmem:s20+$0xFFFFFFE0];
	v52 =	vmul.f32 v47, v5;
	v55 =	vmul.f32 v49, v6  }
0xd3: {  	s25 =	sadd.s32 $0x2, s21;
	v17 =	vadd.f32 v18, v17;
	v33 =	vld [tilespmem:s20+$0x0];
	v57 =	vmul.f32 v51, v7;
	v60 =	vmul.f32 v53, v8  }
0xd4: {  	v35 =	vld [tilespmem:s20+$0x10];
	v34 =	vmov s25;
	v22 =	vmul.f32 v56, v1;
	v40 =	vmul.f32 v58, v2  }
0xd5: {  	v41 =	vld [tilespmem:s20+$0x30];
	v12 =	vadd.f32 v13, v12;
	v42 =	vmul.f32 v61, v3;
	v23 =	vmul.f32 v24, v23  }
0xd6: {  	s23 =	sadd.s32 $0x3, s21;
	s24 =	sadd.s32 $0x1, s21;
	v43 =	vld [tilespmem:s22+$0x30];
	v14 =	vadd.f32 v14, v21;
	v16 =	vmul.f32 v16, v4;
	v47 =	vmul.f32 v50, v48  }
0xd7: {  	v45 =	vld [tilespmem:s20+$0x40];
	v19 =	vmul.f32 v19, v5;
	v58 =	vmov s23;
	v61 =	vmov s24  }
0xd8: {  	v63 =	vld [tilespmem:s22+$0x20];
	v11 =	vmul.f32 v11, v2;
	v12 =	vadd.f32 v12, v17;
	v26 =	vand.u32 $0x7F, v58  }
0xd9: {  	v48 =	vld [tilespmem:s22+$0x40];
	v30 =	vand.u32 $0x7D, v61;
	v13 =	vadd.f32 v55, v52;
	v49 =	vmul.f32 v23, v6  }
0xda: {  	v50 =	vld [tilespmem:s20+$0x50];
	v17 =	vadd.f32 v60, v57;
	v51 =	vmul.f32 v47, v8;
	v26 =	vbroadcast v26, $0x0  }
0xdb: {  	v56 =	vld [tilespmem:s22+$0x60];
	v16 =	vadd.f32 v16, v42;
	v31 =	vbroadcast v30, $0x0;
	v44 =	vmul.f32 v46, v27  }
0xdc: {  	v52 =	vld [tilespmem:s22+$0x50];
	v12 =	vadd.f32 v12, v14;
	v46 =	vmul.f32 v28, v4;
	v53 =	vmul.f32 v54, v33  }
0xdd: {  	v60 =	vld [tilespmem:s20+$0x70];
	v14 =	vadd.f32 v40, v22;
	v57 =	vmul.f32 v59, v35;
	v20 =	vmul.f32 v43, v41  }
0xde: {  	v54 =	vld [tilespmem:s20+$0x60];
	v35 =	vmov s21;
	v32 =	vor.u32 v0, v26;
	v21 =	vmul.f32 v44, v7  }
0xdf: {  	v14 =	vadd.f32 v16, v14;
	v16 =	vmul.f32 v53, v1;
	v59 =	vmul.f32 v63, v62;
	v62 =	vld [tilespmem:s22+$0x70]  }
0xe0: {  	v26 =	vand.u32 $0x7E, v34;
	v22 =	vmul.f32 v57, v2;
	v25 =	vmul.f32 v48, v45;
	v63 =	vld [tilespmem:s20+$0xFFFFFF00]  }
0xe1: {  	v27 =	vand.u32 $0x7C, v35;
	v20 =	vmul.f32 v20, v4;
	v26 =	vbroadcast v26, $0x0  }
0xe2: {  	v36 =	vbroadcast v27, $0x0;
	v23 =	vmul.f32 v52, v50  }
0xe3: {  	v13 =	vadd.f32 v17, v13;
	v33 =	vmul.f32 v59, v3;
	v25 =	vmul.f32 v25, v5  }
0xe4: {  	v18 =	vadd.f32 v49, v19;
	v17 =	vmul.f32 v56, v54;
	v24 =	vmul.f32 v62, v60  }
0xe5: {  	v15 =	vadd.f32 v46, v15;
	v23 =	vmul.f32 v23, v6;
	v10 =	vmul.f32 v10, v63  }
0xe6: {  	v55 =	vadd.f32 v51, v21;
	v17 =	vmul.f32 v17, v7;
	v24 =	vmul.f32 v24, v8  }
0xe7: {  	v16 =	vadd.f32 v22, v16;
	v20 =	vadd.f32 v20, v33;
	v10 =	vmul.f32 v10, v1  }
0xe8: {  	v21 =	vor.u32 v0, v31;
	v23 =	vadd.f32 v23, v25;
	v17 =	vadd.f32 v24, v17  }
0xe9: {  	v18 =	vadd.f32 v55, v18;
	v10 =	vadd.f32 v11, v10;
	v11 =	vor.u32 v0, v26  }
0xea: {  	v37 =	vor.u32 v0, v36;
	v16 =	vadd.f32 v20, v16;
	v17 =	vadd.f32 v17, v23  }
0xeb: {  	v14 =	vadd.f32 v18, v14;
	v10 =	vadd.f32 v15, v10  }
0xec: {  	[tilespmem:v32+s31+$0x0] =	vst.idx.msk $0xffff, v12;
	v38 =	vadd.f32 v17, v16  }
0xed: {  	[tilespmem:v21+s31+$0x0] =	vst.idx.msk $0xffff, v14;
	v10 =	vadd.f32 v13, v10  }
0xee: {  	[tilespmem:v11+s31+$0x0] =	vst.idx.msk $0xffff, v38  }
0xef: {  	[tilespmem:v37+s31+$0x0] =	vst.idx.msk $0xffff, v10  }
0xf0: {  	v10 =	vld [tilespmem:$0x10400]  }
0xf1: {  	v11 =	vld [tilespmem:$0x10480]  }
0xf2: {  	v12 =	vld [tilespmem:$0x10500]  }
0xf3: {  	v39 =	vld [tilespmem:$0x10580]  }
0xf4: {  	v14 =	vld [tilespmem:$0x10600]  }
0xf5: {  	v40 =	vld [tilespmem:$0x10680]  }
0xf6: {  	v41 =	vld [tilespmem:$0x10700]  }
0xf7: {  	v42 =	vld [tilespmem:$0x10780]  }
0xf8: {  	v43 =	vld [tilespmem:$0x10800]  }
0xf9: {  	v19 =	vld [tilespmem:$0x10880]  }
0xfa: {  	v44 =	vld [tilespmem:$0x10900]  }
0xfb: {  	v21 =	vld [tilespmem:$0x10980]  }
0xfc: {  	v22 =	vld [tilespmem:$0x10A00]  }
0xfd: {  	v45 =	vld [tilespmem:$0x10A80]  }
0xfe: {  	v46 =	vld [tilespmem:$0x10B00]  }
0xff: {  	v47 =	vld [tilespmem:$0x10B80]  }
0x100: {  	v48 =	vld [tilespmem:$0x10410]  }
0x101: {  	v49 =	vld [tilespmem:$0x10490]  }
0x102: {  	v50 =	vld [tilespmem:$0x10510]  }
0x103: {  	v51 =	vld [tilespmem:$0x10590]  }
0x104: {  	v52 =	vld [tilespmem:$0x10610];
	v10 =	vadd.f32 v43, v10;
	v11 =	vadd.f32 v19, v11  }
0x105: {  	v53 =	vld [tilespmem:$0x10690];
	v12 =	vadd.f32 v44, v12;
	v13 =	vadd.f32 v21, v39  }
0x106: {  	v54 =	vld [tilespmem:$0x10710];
	v14 =	vadd.f32 v22, v14;
	v15 =	vadd.f32 v45, v40  }
0x107: {  	v55 =	vld [tilespmem:$0x10790];
	v16 =	vadd.f32 v46, v41;
	v17 =	vadd.f32 v47, v42  }
0x108: {  	v56 =	vld [tilespmem:$0x10810];
	v10 =	vadd.f32 v14, v10;
	v11 =	vadd.f32 v15, v11  }
0x109: {  	v57 =	vld [tilespmem:$0x10890];
	v12 =	vadd.f32 v16, v12;
	v13 =	vadd.f32 v17, v13  }
0x10a: {  	v58 =	vld [tilespmem:$0x10910]  }
0x10b: {  	v61 =	vld [tilespmem:$0x10B10];
	v10 =	vadd.f32 v12, v10;
	v11 =	vadd.f32 v13, v11  }
0x10c: {  	v59 =	vld [tilespmem:$0x10990]  }
0x10d: {  	v62 =	vld [tilespmem:$0x10B90];
	v10 =	vadd.f32 v11, v10  }
0x10e: {  	v60 =	vld [tilespmem:$0x10A90]  }
0x10f: {  	v11 =	vld [tilespmem:$0x10A10];
	v10 =	vadd.f32 v10, v9  }
0x110: {  	v63 =	vadd.f32 v61, v54  }
0x111: {  	v15 =	vadd.f32 v56, v48;
	v10 =	vsub.f32 $0.0e+00, v10  }
0x112: {  	v16 =	vadd.f32 v57, v49;
	v14 =	vadd.f32 v62, v55  }
0x113: {  	v12 =	vadd.f32 v58, v50;
	v13 =	vadd.f32 v59, v51;
	v10 =	vmul.f32 $1.442695020e+00, v10  }
0x114: {  	v17 =	vadd.f32 v60, v53;
	v11 =	vadd.f32 v11, v52  }
0x115: {  	v12 =	vadd.f32 v63, v12;
	v13 =	vadd.f32 v14, v13;
	(erf) = vpow2.f32 v10  }
0x116: {  	v10 =	vadd.f32 v11, v15;
	v11 =	vadd.f32 v17, v16;
	_ =	sdelay $0x1  }
0x117: {  	v10 =	vadd.f32 v12, v10;
	v11 =	vadd.f32 v13, v11;
	_ =	sdelay $0x1  }
0x118: {  	v10 =	vadd.f32 v11, v10;
	_ =	sdelay $0x1  }
0x119: {  	v10 =	vadd.f32 v10, v9;
	_ =	sdelay $0x1  }
0x11a: {  	v10 =	vsub.f32 $0.0e+00, v10;
	v11 =	vpop (erf)  }
0x11b: {  	v11 =	vadd.f32 $1.000000000e+00, v11  }
0x11c: {  	v10 =	vmul.f32 $1.442695020e+00, v10  }
0x11d: {  	(erf) = vrcp.f32 v11  }
0x11e: {  	(erf) = vpow2.f32 v10;
	_ =	sdelay $0x7  }
0x11f: {  	v10 =	vpop (erf)  }
0x120: {  	v11 =	vpop (erf)  }
0x121: {  	v11 =	vadd.f32 $1.000000000e+00, v11;
	_ =	sdelay $0x1  }
0x122: {  	(erf) = vrcp.f32 v11;
	_ =	sdelay $0x3  }
0x123: {  	s26 =	sshll.u32 s14, $0x5;
	s14 =	sadd.s32 $0x1, s14  }
0x124: {  	p0 =	sne.s32 s14, $0x10  }
.Ltmp1:
0x125: {  	_ = 	snop;
	(pc) =	sbr.rel @p0 .LBB2_2-.Ltmp1, $4  }
0x126: {  	_ = 	snop  }
0x127: {  	s20 =	sand.u32 $0x3FFFFFE0, s26  }
0x128: {  	[tilespmem:s20+$0x10C00] =	vst v10;
	v10 =	vpop (erf)  }
0x129: {  	s13 =	sadd.s32 $0x1, s13;
	[tilespmem:s20+$0x10C10] =	vst v10  }
0x12a: {  	s3 =	sadd.s32 $0x1, s3  }
0x12b: {  	p0 =	sne.s32 s3, s12  }
.Ltmp2:
0x12c: {  	_ = 	snop;
	(pc) =	sbr.rel @p0 .LBB2_1-.Ltmp2, $4  }
0x12d: {  	[hbm4b:s11+s5] =	stream.linear.scatter [tilespmem:s0], [sflag:$0x15], $0x200, $0x38;
	[tilespmem:$0x10F00] =	vst v63  }
0x12e: {  	_ =	swait.ge [sflag:s4], $0x200  }
0x12f: {  	[sflag:s4] =	ssyncset.done $0x0  }
0x130: {  	[sflag:s4] =	ssyncadd.s32 $0xFFFFFE00  }
0x131: {  	_ =	sfence.sel $0x180000  }
0x132: {  	[bflag:$0x0] =	sbarrier.arrive $0xFFFF  }
0x133: {  	_ =	strace $0x90000047  }
0x134: {  	s0 =	stileid.u32;
	[bflag:$0x2] =	sbarrier.arrive $0xFFFF  }
0x135: {  	p0 =	sne.s32 s0, $0x0;
	s0 =	rddreg [dreg:$0x7]  }
0x136: {  	s0 =	sadd.s32 @!p0 $0x100000, s0  }
0x137: {  	[sflag:s0] =	ssyncadd.tile.s32 @!p0 $0x1;
	_ =	shalt  }
.Lfunc_end2:
_tile_overlayer_lowered:
.L_overlay_start_2:
0x138: {  	(tag) =	ssettag $0x2  }
0x139: {  	s0 =	rddreg [dreg:$0x0];
	s2 =	stileid.u32  }
0x13a: {  	s1 =	rddreg [dreg:$0x1];
	p0 =	sne.s32 s2, $0x0  }
0x13b: {  	s3 =	rddreg [dreg:$0x2];
	[bflag:$0x3] =	sbarrier.arrive $0xFFFF;
	s2 =	simm.s32 @!p0 $0x1C15  }
0x13c: {  	[timem:s3], [sflag:s2] =	dma.local @!p0 [hbm:s0], s1  }
0x13d: {  	s0 =	simm.s32 @!p0 $0x15  }
0x13e: {  	_ =	swait.ge @!p0 [sflag:s0], s1  }
0x13f: {  	s1 =	ssub.s32 @!p0 $0x0, s1;
	[sflag:s0] =	ssyncset.done @!p0 $0x0  }
0x140: {  	[sflag:s0] =	ssyncadd.s32 @!p0 s1  }
0x141: {  	[bflag:$0x3] =	sbarrier.arrive $0xFFFF  }
0x142: {  	_ =	shalt  }

</sc_bundles>
